<compile_context>
chip_gen: v7x
topology: tpu7x:2x2x1
jax: 0.10.2.dev20260603
libtpu: 0.0.44.dev20260713+nightly
codegen_flags: <defaults>
</compile_context>

<pallas_src>
import functools

import functools

import jax
import jax.numpy as jnp
from jax import lax
from jax.experimental import pallas as pl
from jax.experimental.pallas import tpu as pltpu
from jax.experimental.pallas import tpu_sc as plsc

N = 10000
D = 128
E = 320000

NC = 2
NS = 16
NW = NC * NS
CHUNK = 128
N_PAD = 10240
ROWS_PER_TILE = N_PAD // NS
E_PER_TILE_CHUNKS = 80
E_PER_TILE = E_PER_TILE_CHUNKS * CHUNK
E_PAD = NW * E_PER_TILE
PART = 40
CHUNKS_C0 = 80
CHUNKS_C1 = 80


def _sc_mesh():
    return plsc.VectorSubcoreMesh(
        core_axis_name="c", subcore_axis_name="s", num_cores=NC,
        num_subcores=NS)


def _sc_hist_body(dst_hbm, deg_out, idx_v, ones_v, zero_v, deg_sh):
    c = lax.axis_index("c")
    s = lax.axis_index("s")
    wid = c * NS + s
    zeros16 = jnp.zeros((16,), jnp.float32)
    ones16 = jnp.ones((16,), jnp.float32)
    for i in range(ROWS_PER_TILE // 16):
        zero_v[pl.ds(i * 16, 16)] = zeros16
    for i in range(CHUNK // 16):
        ones_v[pl.ds(i * 16, 16)] = ones16
    pltpu.sync_copy(zero_v, deg_sh.at[pl.ds(s * ROWS_PER_TILE, ROWS_PER_TILE)])
    plsc.subcore_barrier()
    pltpu.sync_copy(dst_hbm.at[wid], idx_v)

    def body(j, carry):
        pltpu.sync_copy(ones_v, deg_sh.at[idx_v.at[j]], add=True)
        return carry

    lax.fori_loop(0, E_PER_TILE_CHUNKS, body, 0)
    plsc.subcore_barrier()
    pltpu.sync_copy(deg_sh.at[pl.ds(s * ROWS_PER_TILE, ROWS_PER_TILE)],
                    deg_out.at[c, pl.ds(s * ROWS_PER_TILE, ROWS_PER_TILE)])


@functools.cache
def _sc_hist():
  return pl.kernel(
    _sc_hist_body,
    out_type=jax.ShapeDtypeStruct((NC, N_PAD), jnp.float32),
    mesh=_sc_mesh(),
    scratch_types=[
        pltpu.VMEM((E_PER_TILE_CHUNKS, CHUNK), jnp.int32),
        pltpu.VMEM((CHUNK,), jnp.float32),
        pltpu.VMEM((ROWS_PER_TILE,), jnp.float32),
        pltpu.VMEM_SHARED((N_PAD,), jnp.float32),
    ],
  )


def _sc_agg_body(srcA_hbm, dstA_hbm, srcB_hbm, dstB_hbm, g_hbm, acc_out,
                 isrc_v, idst_v, rows0, rows1, acc_sh, gsem0, gsem1):
    rows = [rows0, rows1]
    gsem = [gsem0, gsem1]
    c = lax.axis_index("c")
    s = lax.axis_index("s")
    zeros16 = jnp.zeros((16,), jnp.float32)

    def zbody(j, carry):
        for k in range(D // 16):
            rows0[j, pl.ds(k * 16, 16)] = zeros16
        return carry

    lax.fori_loop(0, CHUNK, zbody, 0)
    for k in range(ROWS_PER_TILE // CHUNK):
        pltpu.sync_copy(
            rows0, acc_sh.at[pl.ds(s * ROWS_PER_TILE + k * CHUNK, CHUNK)])
    plsc.subcore_barrier()

    def run(src_ref, dst_ref, nparts):
        for part in range(nparts):
            pltpu.sync_copy(src_ref.at[s, pl.ds(part * PART, PART)], isrc_v)
            pltpu.sync_copy(dst_ref.at[s, pl.ds(part * PART, PART)], idst_v)
            pltpu.async_copy(g_hbm.at[isrc_v.at[0]], rows0, gsem[0])

            def body(jj, carry):
                for t in range(2):
                    j = jj * 2 + t
                    b, bn = rows[t], rows[1 - t]
                    sb, sbn = gsem[t], gsem[1 - t]
                    pltpu.make_async_copy(g_hbm.at[isrc_v.at[j]], b,
                                          sb).wait()

                    def prefetch(j=j, bn=bn, sbn=sbn):
                        pltpu.async_copy(g_hbm.at[isrc_v.at[j + 1]], bn, sbn)

                    pl.when(j < PART - 1)(prefetch)
                    pltpu.sync_copy(b, acc_sh.at[idst_v.at[j]], add=True)
                return carry

            lax.fori_loop(0, PART // 2, body, 0)

    pl.when(c == 0)(lambda: run(srcA_hbm, dstA_hbm, CHUNKS_C0 // PART))
    pl.when(c == 1)(lambda: run(srcB_hbm, dstB_hbm, CHUNKS_C1 // PART))
    plsc.subcore_barrier()
    pltpu.sync_copy(acc_sh.at[pl.ds(s * ROWS_PER_TILE, ROWS_PER_TILE)],
                    acc_out.at[c, pl.ds(s * ROWS_PER_TILE, ROWS_PER_TILE)])


@functools.cache
def _sc_agg():
  return pl.kernel(
    _sc_agg_body,
    out_type=jax.ShapeDtypeStruct((NC, N_PAD, D), jnp.float32),
    mesh=_sc_mesh(),
    scratch_types=[
        pltpu.VMEM((PART, CHUNK), jnp.int32),
        pltpu.VMEM((PART, CHUNK), jnp.int32),
        pltpu.VMEM((CHUNK, D), jnp.float32),
        pltpu.VMEM((CHUNK, D), jnp.float32),
        pltpu.VMEM_SHARED((N_PAD, D), jnp.float32),
        pltpu.SemaphoreType.DMA,
        pltpu.SemaphoreType.DMA,
    ],
  )


def _tc_scale_body(x_ref, deg0_ref, deg1_ref, g_ref):
    i = pl.program_id(0)
    deg = deg0_ref[...] + deg1_ref[...] + 1.0
    dis = lax.rsqrt(deg)
    row = i * 640 + jax.lax.broadcasted_iota(jnp.int32, (640, 1), 0)
    g_ref[...] = jnp.where(row < N, x_ref[...] * dis, 0.0)


def _tc_scale(x, deg0, deg1):
    R = 640
    grid = (N_PAD // R,)
    return pl.pallas_call(
        _tc_scale_body,
        grid=grid,
        in_specs=[
            pl.BlockSpec((R, D), lambda i: (i, 0)),
            pl.BlockSpec((R, 1), lambda i: (i, 0)),
            pl.BlockSpec((R, 1), lambda i: (i, 0)),
        ],
        out_specs=pl.BlockSpec((R, D), lambda i: (i, 0)),
        out_shape=jax.ShapeDtypeStruct((N_PAD, D), jnp.float32),
    )(x, deg0, deg1)


def _tc_final_body(x_ref, deg0_ref, deg1_ref, acc0_ref, acc1_ref, w_ref,
                   b_ref, gamma_ref, beta_ref, a_ref, o_ref):
    deg = deg0_ref[...] + deg1_ref[...] + 1.0
    dis = lax.rsqrt(deg)
    pre = (acc0_ref[0] + acc1_ref[0]) * dis + x_ref[...] * (1.0 / deg)
    out = jnp.dot(pre, w_ref[...],
                  preferred_element_type=jnp.float32) + b_ref[...]
    mu = jnp.mean(out, axis=1, keepdims=True)
    cen = out - mu
    var = jnp.mean(cen * cen, axis=1, keepdims=True)
    y = cen * lax.rsqrt(var + 1e-5) * gamma_ref[...] + beta_ref[...]
    o_ref[...] = jnp.where(y >= 0.0, y, a_ref[...] * y)


def _tc_final(x, deg0, deg1, acc, W, b, gamma, beta, a):
    R = 1000
    grid = (N // R,)
    full = lambda i: (0, 0)
    return pl.pallas_call(
        _tc_final_body,
        grid=grid,
        in_specs=[
            pl.BlockSpec((R, D), lambda i: (i, 0)),
            pl.BlockSpec((R, 1), lambda i: (i, 0)),
            pl.BlockSpec((R, 1), lambda i: (i, 0)),
            pl.BlockSpec((1, R, D), lambda i: (0, i, 0)),
            pl.BlockSpec((1, R, D), lambda i: (1, i, 0)),
            pl.BlockSpec((D, D), full),
            pl.BlockSpec((1, D), full),
            pl.BlockSpec((1, D), full),
            pl.BlockSpec((1, D), full),
            pl.BlockSpec((1, 1), full),
        ],
        out_specs=pl.BlockSpec((R, D), lambda i: (i, 0)),
        out_shape=jax.ShapeDtypeStruct((N, D), jnp.float32),
    )(x, deg0, deg1, acc, acc, W, b, gamma, beta, a)


def kernel(x, edge_index, batch, W, b, gamma, beta, a):
    del batch
    src = edge_index[0].astype(jnp.int32)
    dst = edge_index[1].astype(jnp.int32)
    n_dummy = E_PAD - E
    dummy_i = jnp.arange(n_dummy, dtype=jnp.int32)
    src_p = jnp.concatenate([src, N + dummy_i % (N_PAD - N)])
    dst_p = jnp.concatenate([dst, dummy_i % N])
    dst_hist = jnp.concatenate([dst, N + dummy_i % (N_PAD - N)])
    dst_r = dst_hist.reshape(NW, E_PER_TILE_CHUNKS, CHUNK)
    e_a = NS * CHUNKS_C0 * CHUNK
    src_a = src_p[:e_a].reshape(NS, CHUNKS_C0, CHUNK)
    dst_a = dst_p[:e_a].reshape(NS, CHUNKS_C0, CHUNK)
    e_b = NS * CHUNKS_C1 * CHUNK
    src_b = src_p[e_a:e_a + e_b].reshape(NS, CHUNKS_C1, CHUNK)
    dst_b = dst_p[e_a:e_a + e_b].reshape(NS, CHUNKS_C1, CHUNK)

    degp = _sc_hist()(dst_r)
    deg0 = degp[0, :N].reshape(N, 1)
    deg1 = degp[1, :N].reshape(N, 1)

    g = _tc_scale(x, deg0, deg1)

    acc = _sc_agg()(src_a, dst_a, src_b, dst_b, g)

    b2 = b.reshape(1, D)
    gamma2 = gamma.reshape(1, D)
    beta2 = beta.reshape(1, D)
    a2 = a.reshape(1, 1)
    return _tc_final(x, deg0, deg1, acc, W, b2, gamma2, beta2, a2)

# --- scband reference (transcript-rebuilt; emitter-appended) ---
"""Pipeline reference for scband-gcnblock-10282151707323 (READ-ONLY COPY).

The authoritative reference and input builder live on the scoring server;
editing this copy changes nothing except your own understanding.
"""

import jax, jax.numpy as jnp
import numpy as np

N = 10000
E = 320000
D = 128

def setup_inputs(seed: int = 0) -> dict:
    key = jax.random.key(seed)
    k1, k2, k3, k4 = jax.random.split(key, 4)
    x = jax.random.normal(k1, (N, D), dtype=jnp.float32)
    edge_index = jax.random.randint(k2, (2, E), 0, N, dtype=jnp.int64)
    batch = jnp.zeros((N,), dtype=jnp.int64)
    W = jax.random.normal(k3, (D, D), dtype=jnp.float32) * (1.0 / np.sqrt(D))
    b = jnp.zeros((D,), dtype=jnp.float32)
    gamma = jnp.ones((D,), dtype=jnp.float32)
    beta = jnp.zeros((D,), dtype=jnp.float32)
    a = jnp.asarray(0.25, dtype=jnp.float32)
    return {"x": x, "edge_index": edge_index, "batch": batch, "W": W, "b": b, "gamma": gamma, "beta": beta, "a": a}

def reference(x, edge_index, batch, W, b, gamma, beta, a):
    n = x.shape[0]
    src = edge_index[0]
    dst = edge_index[1]
    loop = jnp.arange(n, dtype=edge_index.dtype)
    row = jnp.concatenate([src, loop])
    col = jnp.concatenate([dst, loop])
    # GCNConv: linear transform first, then symmetric-normalized aggregation with self-loops
    h = x @ W
    deg = jax.ops.segment_sum(jnp.ones(row.shape[0], dtype=x.dtype), col, num_segments=n)
    deg_inv_sqrt = jnp.where(deg > 0, jax.lax.rsqrt(deg), 0.0)
    norm = deg_inv_sqrt[row] * deg_inv_sqrt[col]
    msg = h[row] * norm[:, None]
    out = jax.ops.segment_sum(msg, col, num_segments=n) + b
    # LayerNorm over channel dim
    mu = jnp.mean(out, axis=-1, keepdims=True)
    var = jnp.mean((out - mu) ** 2, axis=-1, keepdims=True)
    y = (out - mu) * jax.lax.rsqrt(var + 1e-5) * gamma + beta
    # PReLU with single learnable slope
    return jnp.where(y >= 0, y, a * y)

if __name__ == "__main__":
    import jax
    _d = setup_inputs()
    print(jax.jit(kernel)(*tuple(_d.values())))

</pallas_src>

<mosaic_0001>
#map = affine_map<(d0, d1) -> (0, 0, 0)>
#map1 = affine_map<(d0, d1) -> (0, 0)>
module attributes {stable_mosaic.version = 14 : i64} {
  func.func @_sc_hist_body(%arg0: i32, %arg1: i32, %arg2: memref<32x80x128xi32, #tpu.memory_space<hbm>>, %arg3: memref<2x10240xf32, #tpu.memory_space<hbm>>, %arg4: memref<80x128xi32, #tpu.memory_space<vmem>>, %arg5: memref<128xf32, #tpu.memory_space<vmem>>, %arg6: memref<640xf32, #tpu.memory_space<vmem>>, %arg7: memref<10240xf32, #tpu.memory_space<vmem_shared>>) attributes {dimension_semantics = [#tpu.dimension_semantics<core_parallel>, #tpu.dimension_semantics<subcore_parallel>], iteration_bounds = array<i64: 2, 16>, scalar_prefetch = 0 : i64, scratch_operands = 4 : i64, tpu.core_type = #tpu.core_type<sc_vector_subcore>, window_params = [{transform_indices = #map}, {transform_indices = #map1}]} {
    %mul3A = arith.constant 16 : i32
    %mul3A_0 = arith.muli %arg0, %mul3A : i32
    %add3A = arith.addi %mul3A_0, %arg1 : i32
    %broadcast_in_dim3A = arith.constant 0.000000e+00 : f32
    %broadcast_in_dim3A_1 = vector.broadcast %broadcast_in_dim3A : f32 to vector<16xf32>
    %broadcast_in_dim3A_2 = arith.constant 1.000000e+00 : f32
    %broadcast_in_dim3A_3 = vector.broadcast %broadcast_in_dim3A_2 : f32 to vector<16xf32>
    %swap3A = arith.constant 0 : index
    %swap3A_4 = tpu.vector_load %arg6[%swap3A] {strides = array<i32>} : memref<640xf32, #tpu.memory_space<vmem>>, vector<16xf32>,
    %swap3A_5 = vector.shape_cast %swap3A_4 : vector<16xf32> to vector<16xf32>
    %swap3A_6 = vector.shape_cast %broadcast_in_dim3A_1 : vector<16xf32> to vector<16xf32>
    tpu.vector_store %arg6[%swap3A], %swap3A_6 {strides = array<i32>} : memref<640xf32, #tpu.memory_space<vmem>>, vector<16xf32>,
    %swap3A_7 = arith.constant 16 : index
    %swap3A_8 = tpu.vector_load %arg6[%swap3A_7] {strides = array<i32>} : memref<640xf32, #tpu.memory_space<vmem>>, vector<16xf32>,
    %swap3A_9 = vector.shape_cast %swap3A_8 : vector<16xf32> to vector<16xf32>
    %swap3A_10 = vector.shape_cast %broadcast_in_dim3A_1 : vector<16xf32> to vector<16xf32>
    tpu.vector_store %arg6[%swap3A_7], %swap3A_10 {strides = array<i32>} : memref<640xf32, #tpu.memory_space<vmem>>, vector<16xf32>,
    %swap3A_11 = arith.constant 32 : index
    %swap3A_12 = tpu.vector_load %arg6[%swap3A_11] {strides = array<i32>} : memref<640xf32, #tpu.memory_space<vmem>>, vector<16xf32>,
    %swap3A_13 = vector.shape_cast %swap3A_12 : vector<16xf32> to vector<16xf32>
    %swap3A_14 = vector.shape_cast %broadcast_in_dim3A_1 : vector<16xf32> to vector<16xf32>
    tpu.vector_store %arg6[%swap3A_11], %swap3A_14 {strides = array<i32>} : memref<640xf32, #tpu.memory_space<vmem>>, vector<16xf32>,
    %swap3A_15 = arith.constant 48 : index
    %swap3A_16 = tpu.vector_load %arg6[%swap3A_15] {strides = array<i32>} : memref<640xf32, #tpu.memory_space<vmem>>, vector<16xf32>,
    %swap3A_17 = vector.shape_cast %swap3A_16 : vector<16xf32> to vector<16xf32>
    %swap3A_18 = vector.shape_cast %broadcast_in_dim3A_1 : vector<16xf32> to vector<16xf32>
    tpu.vector_store %arg6[%swap3A_15], %swap3A_18 {strides = array<i32>} : memref<640xf32, #tpu.memory_space<vmem>>, vector<16xf32>,
    %swap3A_19 = arith.constant 64 : index
    %swap3A_20 = tpu.vector_load %arg6[%swap3A_19] {strides = array<i32>} : memref<640xf32, #tpu.memory_space<vmem>>, vector<16xf32>,
    %swap3A_21 = vector.shape_cast %swap3A_20 : vector<16xf32> to vector<16xf32>
    %swap3A_22 = vector.shape_cast %broadcast_in_dim3A_1 : vector<16xf32> to vector<16xf32>
    tpu.vector_store %arg6[%swap3A_19], %swap3A_22 {strides = array<i32>} : memref<640xf32, #tpu.memory_space<vmem>>, vector<16xf32>,
    %swap3A_23 = arith.constant 80 : index
    %swap3A_24 = tpu.vector_load %arg6[%swap3A_23] {strides = array<i32>} : memref<640xf32, #tpu.memory_space<vmem>>, vector<16xf32>,
    %swap3A_25 = vector.shape_cast %swap3A_24 : vector<16xf32> to vector<16xf32>
    %swap3A_26 = vector.shape_cast %broadcast_in_dim3A_1 : vector<16xf32> to vector<16xf32>
    tpu.vector_store %arg6[%swap3A_23], %swap3A_26 {strides = array<i32>} : memref<640xf32, #tpu.memory_space<vmem>>, vector<16xf32>,
    %swap3A_27 = arith.constant 96 : index
    %swap3A_28 = tpu.vector_load %arg6[%swap3A_27] {strides = array<i32>} : memref<640xf32, #tpu.memory_space<vmem>>, vector<16xf32>,
    %swap3A_29 = vector.shape_cast %swap3A_28 : vector<16xf32> to vector<16xf32>
    %swap3A_30 = vector.shape_cast %broadcast_in_dim3A_1 : vector<16xf32> to vector<16xf32>
    tpu.vector_store %arg6[%swap3A_27], %swap3A_30 {strides = array<i32>} : memref<640xf32, #tpu.memory_space<vmem>>, vector<16xf32>,
    %swap3A_31 = arith.constant 112 : index
    %swap3A_32 = tpu.vector_load %arg6[%swap3A_31] {strides = array<i32>} : memref<640xf32, #tpu.memory_space<vmem>>, vector<16xf32>,
    %swap3A_33 = vector.shape_cast %swap3A_32 : vector<16xf32> to vector<16xf32>
    %swap3A_34 = vector.shape_cast %broadcast_in_dim3A_1 : vector<16xf32> to vector<16xf32>
    tpu.vector_store %arg6[%swap3A_31], %swap3A_34 {strides = array<i32>} : memref<640xf32, #tpu.memory_space<vmem>>, vector<16xf32>,
    %swap3A_35 = arith.constant 128 : index
    %swap3A_36 = tpu.vector_load %arg6[%swap3A_35] {strides = array<i32>} : memref<640xf32, #tpu.memory_space<vmem>>, vector<16xf32>,
    %swap3A_37 = vector.shape_cast %swap3A_36 : vector<16xf32> to vector<16xf32>
    %swap3A_38 = vector.shape_cast %broadcast_in_dim3A_1 : vector<16xf32> to vector<16xf32>
    tpu.vector_store %arg6[%swap3A_35], %swap3A_38 {strides = array<i32>} : memref<640xf32, #tpu.memory_space<vmem>>, vector<16xf32>,
    %swap3A_39 = arith.constant 144 : index
    %swap3A_40 = tpu.vector_load %arg6[%swap3A_39] {strides = array<i32>} : memref<640xf32, #tpu.memory_space<vmem>>, vector<16xf32>,
    %swap3A_41 = vector.shape_cast %swap3A_40 : vector<16xf32> to vector<16xf32>
    %swap3A_42 = vector.shape_cast %broadcast_in_dim3A_1 : vector<16xf32> to vector<16xf32>
    tpu.vector_store %arg6[%swap3A_39], %swap3A_42 {strides = array<i32>} : memref<640xf32, #tpu.memory_space<vmem>>, vector<16xf32>,
    %swap3A_43 = arith.constant 160 : index
    %swap3A_44 = tpu.vector_load %arg6[%swap3A_43] {strides = array<i32>} : memref<640xf32, #tpu.memory_space<vmem>>, vector<16xf32>,
    %swap3A_45 = vector.shape_cast %swap3A_44 : vector<16xf32> to vector<16xf32>
    %swap3A_46 = vector.shape_cast %broadcast_in_dim3A_1 : vector<16xf32> to vector<16xf32>
    tpu.vector_store %arg6[%swap3A_43], %swap3A_46 {strides = array<i32>} : memref<640xf32, #tpu.memory_space<vmem>>, vector<16xf32>,
    %swap3A_47 = arith.constant 176 : index
    %swap3A_48 = tpu.vector_load %arg6[%swap3A_47] {strides = array<i32>} : memref<640xf32, #tpu.memory_space<vmem>>, vector<16xf32>,
    %swap3A_49 = vector.shape_cast %swap3A_48 : vector<16xf32> to vector<16xf32>
    %swap3A_50 = vector.shape_cast %broadcast_in_dim3A_1 : vector<16xf32> to vector<16xf32>
    tpu.vector_store %arg6[%swap3A_47], %swap3A_50 {strides = array<i32>} : memref<640xf32, #tpu.memory_space<vmem>>, vector<16xf32>,
    %swap3A_51 = arith.constant 192 : index
    %swap3A_52 = tpu.vector_load %arg6[%swap3A_51] {strides = array<i32>} : memref<640xf32, #tpu.memory_space<vmem>>, vector<16xf32>,
    %swap3A_53 = vector.shape_cast %swap3A_52 : vector<16xf32> to vector<16xf32>
    %swap3A_54 = vector.shape_cast %broadcast_in_dim3A_1 : vector<16xf32> to vector<16xf32>
    tpu.vector_store %arg6[%swap3A_51], %swap3A_54 {strides = array<i32>} : memref<640xf32, #tpu.memory_space<vmem>>, vector<16xf32>,
    %swap3A_55 = arith.constant 208 : index
    %swap3A_56 = tpu.vector_load %arg6[%swap3A_55] {strides = array<i32>} : memref<640xf32, #tpu.memory_space<vmem>>, vector<16xf32>,
    %swap3A_57 = vector.shape_cast %swap3A_56 : vector<16xf32> to vector<16xf32>
    %swap3A_58 = vector.shape_cast %broadcast_in_dim3A_1 : vector<16xf32> to vector<16xf32>
    tpu.vector_store %arg6[%swap3A_55], %swap3A_58 {strides = array<i32>} : memref<640xf32, #tpu.memory_space<vmem>>, vector<16xf32>,
    %swap3A_59 = arith.constant 224 : index
    %swap3A_60 = tpu.vector_load %arg6[%swap3A_59] {strides = array<i32>} : memref<640xf32, #tpu.memory_space<vmem>>, vector<16xf32>,
    %swap3A_61 = vector.shape_cast %swap3A_60 : vector<16xf32> to vector<16xf32>
    %swap3A_62 = vector.shape_cast %broadcast_in_dim3A_1 : vector<16xf32> to vector<16xf32>
    tpu.vector_store %arg6[%swap3A_59], %swap3A_62 {strides = array<i32>} : memref<640xf32, #tpu.memory_space<vmem>>, vector<16xf32>,
    %swap3A_63 = arith.constant 240 : index
    %swap3A_64 = tpu.vector_load %arg6[%swap3A_63] {strides = array<i32>} : memref<640xf32, #tpu.memory_space<vmem>>, vector<16xf32>,
    %swap3A_65 = vector.shape_cast %swap3A_64 : vector<16xf32> to vector<16xf32>
    %swap3A_66 = vector.shape_cast %broadcast_in_dim3A_1 : vector<16xf32> to vector<16xf32>
    tpu.vector_store %arg6[%swap3A_63], %swap3A_66 {strides = array<i32>} : memref<640xf32, #tpu.memory_space<vmem>>, vector<16xf32>,
    %swap3A_67 = arith.constant 256 : index
    %swap3A_68 = tpu.vector_load %arg6[%swap3A_67] {strides = array<i32>} : memref<640xf32, #tpu.memory_space<vmem>>, vector<16xf32>,
    %swap3A_69 = vector.shape_cast %swap3A_68 : vector<16xf32> to vector<16xf32>
    %swap3A_70 = vector.shape_cast %broadcast_in_dim3A_1 : vector<16xf32> to vector<16xf32>
    tpu.vector_store %arg6[%swap3A_67], %swap3A_70 {strides = array<i32>} : memref<640xf32, #tpu.memory_space<vmem>>, vector<16xf32>,
    %swap3A_71 = arith.constant 272 : index
    %swap3A_72 = tpu.vector_load %arg6[%swap3A_71] {strides = array<i32>} : memref<640xf32, #tpu.memory_space<vmem>>, vector<16xf32>,
    %swap3A_73 = vector.shape_cast %swap3A_72 : vector<16xf32> to vector<16xf32>
    %swap3A_74 = vector.shape_cast %broadcast_in_dim3A_1 : vector<16xf32> to vector<16xf32>
    tpu.vector_store %arg6[%swap3A_71], %swap3A_74 {strides = array<i32>} : memref<640xf32, #tpu.memory_space<vmem>>, vector<16xf32>,
    %swap3A_75 = arith.constant 288 : index
    %swap3A_76 = tpu.vector_load %arg6[%swap3A_75] {strides = array<i32>} : memref<640xf32, #tpu.memory_space<vmem>>, vector<16xf32>,
    %swap3A_77 = vector.shape_cast %swap3A_76 : vector<16xf32> to vector<16xf32>
    %swap3A_78 = vector.shape_cast %broadcast_in_dim3A_1 : vector<16xf32> to vector<16xf32>
    tpu.vector_store %arg6[%swap3A_75], %swap3A_78 {strides = array<i32>} : memref<640xf32, #tpu.memory_space<vmem>>, vector<16xf32>,
    %swap3A_79 = arith.constant 304 : index
    %swap3A_80 = tpu.vector_load %arg6[%swap3A_79] {strides = array<i32>} : memref<640xf32, #tpu.memory_space<vmem>>, vector<16xf32>,
    %swap3A_81 = vector.shape_cast %swap3A_80 : vector<16xf32> to vector<16xf32>
    %swap3A_82 = vector.shape_cast %broadcast_in_dim3A_1 : vector<16xf32> to vector<16xf32>
    tpu.vector_store %arg6[%swap3A_79], %swap3A_82 {strides = array<i32>} : memref<640xf32, #tpu.memory_space<vmem>>, vector<16xf32>,
    %swap3A_83 = arith.constant 320 : index
    %swap3A_84 = tpu.vector_load %arg6[%swap3A_83] {strides = array<i32>} : memref<640xf32, #tpu.memory_space<vmem>>, vector<16xf32>,
    %swap3A_85 = vector.shape_cast %swap3A_84 : vector<16xf32> to vector<16xf32>
    %swap3A_86 = vector.shape_cast %broadcast_in_dim3A_1 : vector<16xf32> to vector<16xf32>
    tpu.vector_store %arg6[%swap3A_83], %swap3A_86 {strides = array<i32>} : memref<640xf32, #tpu.memory_space<vmem>>, vector<16xf32>,
    %swap3A_87 = arith.constant 336 : index
    %swap3A_88 = tpu.vector_load %arg6[%swap3A_87] {strides = array<i32>} : memref<640xf32, #tpu.memory_space<vmem>>, vector<16xf32>,
    %swap3A_89 = vector.shape_cast %swap3A_88 : vector<16xf32> to vector<16xf32>
    %swap3A_90 = vector.shape_cast %broadcast_in_dim3A_1 : vector<16xf32> to vector<16xf32>
    tpu.vector_store %arg6[%swap3A_87], %swap3A_90 {strides = array<i32>} : memref<640xf32, #tpu.memory_space<vmem>>, vector<16xf32>,
    %swap3A_91 = arith.constant 352 : index
    %swap3A_92 = tpu.vector_load %arg6[%swap3A_91] {strides = array<i32>} : memref<640xf32, #tpu.memory_space<vmem>>, vector<16xf32>,
    %swap3A_93 = vector.shape_cast %swap3A_92 : vector<16xf32> to vector<16xf32>
    %swap3A_94 = vector.shape_cast %broadcast_in_dim3A_1 : vector<16xf32> to vector<16xf32>
    tpu.vector_store %arg6[%swap3A_91], %swap3A_94 {strides = array<i32>} : memref<640xf32, #tpu.memory_space<vmem>>, vector<16xf32>,
    %swap3A_95 = arith.constant 368 : index
    %swap3A_96 = tpu.vector_load %arg6[%swap3A_95] {strides = array<i32>} : memref<640xf32, #tpu.memory_space<vmem>>, vector<16xf32>,
    %swap3A_97 = vector.shape_cast %swap3A_96 : vector<16xf32> to vector<16xf32>
    %swap3A_98 = vector.shape_cast %broadcast_in_dim3A_1 : vector<16xf32> to vector<16xf32>
    tpu.vector_store %arg6[%swap3A_95], %swap3A_98 {strides = array<i32>} : memref<640xf32, #tpu.memory_space<vmem>>, vector<16xf32>,
    %swap3A_99 = arith.constant 384 : index
    %swap3A_100 = tpu.vector_load %arg6[%swap3A_99] {strides = array<i32>} : memref<640xf32, #tpu.memory_space<vmem>>, vector<16xf32>,
    %swap3A_101 = vector.shape_cast %swap3A_100 : vector<16xf32> to vector<16xf32>
    %swap3A_102 = vector.shape_cast %broadcast_in_dim3A_1 : vector<16xf32> to vector<16xf32>
    tpu.vector_store %arg6[%swap3A_99], %swap3A_102 {strides = array<i32>} : memref<640xf32, #tpu.memory_space<vmem>>, vector<16xf32>,
    %swap3A_103 = arith.constant 400 : index
    %swap3A_104 = tpu.vector_load %arg6[%swap3A_103] {strides = array<i32>} : memref<640xf32, #tpu.memory_space<vmem>>, vector<16xf32>,
    %swap3A_105 = vector.shape_cast %swap3A_104 : vector<16xf32> to vector<16xf32>
    %swap3A_106 = vector.shape_cast %broadcast_in_dim3A_1 : vector<16xf32> to vector<16xf32>
    tpu.vector_store %arg6[%swap3A_103], %swap3A_106 {strides = array<i32>} : memref<640xf32, #tpu.memory_space<vmem>>, vector<16xf32>,
    %swap3A_107 = arith.constant 416 : index
    %swap3A_108 = tpu.vector_load %arg6[%swap3A_107] {strides = array<i32>} : memref<640xf32, #tpu.memory_space<vmem>>, vector<16xf32>,
    %swap3A_109 = vector.shape_cast %swap3A_108 : vector<16xf32> to vector<16xf32>
    %swap3A_110 = vector.shape_cast %broadcast_in_dim3A_1 : vector<16xf32> to vector<16xf32>
    tpu.vector_store %arg6[%swap3A_107], %swap3A_110 {strides = array<i32>} : memref<640xf32, #tpu.memory_space<vmem>>, vector<16xf32>,
    %swap3A_111 = arith.constant 432 : index
    %swap3A_112 = tpu.vector_load %arg6[%swap3A_111] {strides = array<i32>} : memref<640xf32, #tpu.memory_space<vmem>>, vector<16xf32>,
    %swap3A_113 = vector.shape_cast %swap3A_112 : vector<16xf32> to vector<16xf32>
    %swap3A_114 = vector.shape_cast %broadcast_in_dim3A_1 : vector<16xf32> to vector<16xf32>
    tpu.vector_store %arg6[%swap3A_111], %swap3A_114 {strides = array<i32>} : memref<640xf32, #tpu.memory_space<vmem>>, vector<16xf32>,
    %swap3A_115 = arith.constant 448 : index
    %swap3A_116 = tpu.vector_load %arg6[%swap3A_115] {strides = array<i32>} : memref<640xf32, #tpu.memory_space<vmem>>, vector<16xf32>,
    %swap3A_117 = vector.shape_cast %swap3A_116 : vector<16xf32> to vector<16xf32>
    %swap3A_118 = vector.shape_cast %broadcast_in_dim3A_1 : vector<16xf32> to vector<16xf32>
    tpu.vector_store %arg6[%swap3A_115], %swap3A_118 {strides = array<i32>} : memref<640xf32, #tpu.memory_space<vmem>>, vector<16xf32>,
    %swap3A_119 = arith.constant 464 : index
    %swap3A_120 = tpu.vector_load %arg6[%swap3A_119] {strides = array<i32>} : memref<640xf32, #tpu.memory_space<vmem>>, vector<16xf32>,
    %swap3A_121 = vector.shape_cast %swap3A_120 : vector<16xf32> to vector<16xf32>
    %swap3A_122 = vector.shape_cast %broadcast_in_dim3A_1 : vector<16xf32> to vector<16xf32>
    tpu.vector_store %arg6[%swap3A_119], %swap3A_122 {strides = array<i32>} : memref<640xf32, #tpu.memory_space<vmem>>, vector<16xf32>,
    %swap3A_123 = arith.constant 480 : index
    %swap3A_124 = tpu.vector_load %arg6[%swap3A_123] {strides = array<i32>} : memref<640xf32, #tpu.memory_space<vmem>>, vector<16xf32>,
    %swap3A_125 = vector.shape_cast %swap3A_124 : vector<16xf32> to vector<16xf32>
    %swap3A_126 = vector.shape_cast %broadcast_in_dim3A_1 : vector<16xf32> to vector<16xf32>
    tpu.vector_store %arg6[%swap3A_123], %swap3A_126 {strides = array<i32>} : memref<640xf32, #tpu.memory_space<vmem>>, vector<16xf32>,
    %swap3A_127 = arith.constant 496 : index
    %swap3A_128 = tpu.vector_load %arg6[%swap3A_127] {strides = array<i32>} : memref<640xf32, #tpu.memory_space<vmem>>, vector<16xf32>,
    %swap3A_129 = vector.shape_cast %swap3A_128 : vector<16xf32> to vector<16xf32>
    %swap3A_130 = vector.shape_cast %broadcast_in_dim3A_1 : vector<16xf32> to vector<16xf32>
    tpu.vector_store %arg6[%swap3A_127], %swap3A_130 {strides = array<i32>} : memref<640xf32, #tpu.memory_space<vmem>>, vector<16xf32>,
    %swap3A_131 = arith.constant 512 : index
    %swap3A_132 = tpu.vector_load %arg6[%swap3A_131] {strides = array<i32>} : memref<640xf32, #tpu.memory_space<vmem>>, vector<16xf32>,
    %swap3A_133 = vector.shape_cast %swap3A_132 : vector<16xf32> to vector<16xf32>
    %swap3A_134 = vector.shape_cast %broadcast_in_dim3A_1 : vector<16xf32> to vector<16xf32>
    tpu.vector_store %arg6[%swap3A_131], %swap3A_134 {strides = array<i32>} : memref<640xf32, #tpu.memory_space<vmem>>, vector<16xf32>,
    %swap3A_135 = arith.constant 528 : index
    %swap3A_136 = tpu.vector_load %arg6[%swap3A_135] {strides = array<i32>} : memref<640xf32, #tpu.memory_space<vmem>>, vector<16xf32>,
    %swap3A_137 = vector.shape_cast %swap3A_136 : vector<16xf32> to vector<16xf32>
    %swap3A_138 = vector.shape_cast %broadcast_in_dim3A_1 : vector<16xf32> to vector<16xf32>
    tpu.vector_store %arg6[%swap3A_135], %swap3A_138 {strides = array<i32>} : memref<640xf32, #tpu.memory_space<vmem>>, vector<16xf32>,
    %swap3A_139 = arith.constant 544 : index
    %swap3A_140 = tpu.vector_load %arg6[%swap3A_139] {strides = array<i32>} : memref<640xf32, #tpu.memory_space<vmem>>, vector<16xf32>,
    %swap3A_141 = vector.shape_cast %swap3A_140 : vector<16xf32> to vector<16xf32>
    %swap3A_142 = vector.shape_cast %broadcast_in_dim3A_1 : vector<16xf32> to vector<16xf32>
    tpu.vector_store %arg6[%swap3A_139], %swap3A_142 {strides = array<i32>} : memref<640xf32, #tpu.memory_space<vmem>>, vector<16xf32>,
    %swap3A_143 = arith.constant 560 : index
    %swap3A_144 = tpu.vector_load %arg6[%swap3A_143] {strides = array<i32>} : memref<640xf32, #tpu.memory_space<vmem>>, vector<16xf32>,
    %swap3A_145 = vector.shape_cast %swap3A_144 : vector<16xf32> to vector<16xf32>
    %swap3A_146 = vector.shape_cast %broadcast_in_dim3A_1 : vector<16xf32> to vector<16xf32>
    tpu.vector_store %arg6[%swap3A_143], %swap3A_146 {strides = array<i32>} : memref<640xf32, #tpu.memory_space<vmem>>, vector<16xf32>,
    %swap3A_147 = arith.constant 576 : index
    %swap3A_148 = tpu.vector_load %arg6[%swap3A_147] {strides = array<i32>} : memref<640xf32, #tpu.memory_space<vmem>>, vector<16xf32>,
    %swap3A_149 = vector.shape_cast %swap3A_148 : vector<16xf32> to vector<16xf32>
    %swap3A_150 = vector.shape_cast %broadcast_in_dim3A_1 : vector<16xf32> to vector<16xf32>
    tpu.vector_store %arg6[%swap3A_147], %swap3A_150 {strides = array<i32>} : memref<640xf32, #tpu.memory_space<vmem>>, vector<16xf32>,
    %swap3A_151 = arith.constant 592 : index
    %swap3A_152 = tpu.vector_load %arg6[%swap3A_151] {strides = array<i32>} : memref<640xf32, #tpu.memory_space<vmem>>, vector<16xf32>,
    %swap3A_153 = vector.shape_cast %swap3A_152 : vector<16xf32> to vector<16xf32>
    %swap3A_154 = vector.shape_cast %broadcast_in_dim3A_1 : vector<16xf32> to vector<16xf32>
    tpu.vector_store %arg6[%swap3A_151], %swap3A_154 {strides = array<i32>} : memref<640xf32, #tpu.memory_space<vmem>>, vector<16xf32>,
    %swap3A_155 = arith.constant 608 : index
    %swap3A_156 = tpu.vector_load %arg6[%swap3A_155] {strides = array<i32>} : memref<640xf32, #tpu.memory_space<vmem>>, vector<16xf32>,
    %swap3A_157 = vector.shape_cast %swap3A_156 : vector<16xf32> to vector<16xf32>
    %swap3A_158 = vector.shape_cast %broadcast_in_dim3A_1 : vector<16xf32> to vector<16xf32>
    tpu.vector_store %arg6[%swap3A_155], %swap3A_158 {strides = array<i32>} : memref<640xf32, #tpu.memory_space<vmem>>, vector<16xf32>,
    %swap3A_159 = arith.constant 624 : index
    %swap3A_160 = tpu.vector_load %arg6[%swap3A_159] {strides = array<i32>} : memref<640xf32, #tpu.memory_space<vmem>>, vector<16xf32>,
    %swap3A_161 = vector.shape_cast %swap3A_160 : vector<16xf32> to vector<16xf32>
    %swap3A_162 = vector.shape_cast %broadcast_in_dim3A_1 : vector<16xf32> to vector<16xf32>
    tpu.vector_store %arg6[%swap3A_159], %swap3A_162 {strides = array<i32>} : memref<640xf32, #tpu.memory_space<vmem>>, vector<16xf32>,
    %swap3A_163 = arith.constant 0 : index
    %swap3A_164 = tpu.vector_load %arg5[%swap3A_163] {strides = array<i32>} : memref<128xf32, #tpu.memory_space<vmem>>, vector<16xf32>,
    %swap3A_165 = vector.shape_cast %swap3A_164 : vector<16xf32> to vector<16xf32>
    %swap3A_166 = vector.shape_cast %broadcast_in_dim3A_3 : vector<16xf32> to vector<16xf32>
    tpu.vector_store %arg5[%swap3A_163], %swap3A_166 {strides = array<i32>} : memref<128xf32, #tpu.memory_space<vmem>>, vector<16xf32>,
    %swap3A_167 = arith.constant 16 : index
    %swap3A_168 = tpu.vector_load %arg5[%swap3A_167] {strides = array<i32>} : memref<128xf32, #tpu.memory_space<vmem>>, vector<16xf32>,
    %swap3A_169 = vector.shape_cast %swap3A_168 : vector<16xf32> to vector<16xf32>
    %swap3A_170 = vector.shape_cast %broadcast_in_dim3A_3 : vector<16xf32> to vector<16xf32>
    tpu.vector_store %arg5[%swap3A_167], %swap3A_170 {strides = array<i32>} : memref<128xf32, #tpu.memory_space<vmem>>, vector<16xf32>,
    %swap3A_171 = arith.constant 32 : index
    %swap3A_172 = tpu.vector_load %arg5[%swap3A_171] {strides = array<i32>} : memref<128xf32, #tpu.memory_space<vmem>>, vector<16xf32>,
    %swap3A_173 = vector.shape_cast %swap3A_172 : vector<16xf32> to vector<16xf32>
    %swap3A_174 = vector.shape_cast %broadcast_in_dim3A_3 : vector<16xf32> to vector<16xf32>
    tpu.vector_store %arg5[%swap3A_171], %swap3A_174 {strides = array<i32>} : memref<128xf32, #tpu.memory_space<vmem>>, vector<16xf32>,
    %swap3A_175 = arith.constant 48 : index
    %swap3A_176 = tpu.vector_load %arg5[%swap3A_175] {strides = array<i32>} : memref<128xf32, #tpu.memory_space<vmem>>, vector<16xf32>,
    %swap3A_177 = vector.shape_cast %swap3A_176 : vector<16xf32> to vector<16xf32>
    %swap3A_178 = vector.shape_cast %broadcast_in_dim3A_3 : vector<16xf32> to vector<16xf32>
    tpu.vector_store %arg5[%swap3A_175], %swap3A_178 {strides = array<i32>} : memref<128xf32, #tpu.memory_space<vmem>>, vector<16xf32>,
    %swap3A_179 = arith.constant 64 : index
    %swap3A_180 = tpu.vector_load %arg5[%swap3A_179] {strides = array<i32>} : memref<128xf32, #tpu.memory_space<vmem>>, vector<16xf32>,
    %swap3A_181 = vector.shape_cast %swap3A_180 : vector<16xf32> to vector<16xf32>
    %swap3A_182 = vector.shape_cast %broadcast_in_dim3A_3 : vector<16xf32> to vector<16xf32>
    tpu.vector_store %arg5[%swap3A_179], %swap3A_182 {strides = array<i32>} : memref<128xf32, #tpu.memory_space<vmem>>, vector<16xf32>,
    %swap3A_183 = arith.constant 80 : index
    %swap3A_184 = tpu.vector_load %arg5[%swap3A_183] {strides = array<i32>} : memref<128xf32, #tpu.memory_space<vmem>>, vector<16xf32>,
    %swap3A_185 = vector.shape_cast %swap3A_184 : vector<16xf32> to vector<16xf32>
    %swap3A_186 = vector.shape_cast %broadcast_in_dim3A_3 : vector<16xf32> to vector<16xf32>
    tpu.vector_store %arg5[%swap3A_183], %swap3A_186 {strides = array<i32>} : memref<128xf32, #tpu.memory_space<vmem>>, vector<16xf32>,
    %swap3A_187 = arith.constant 96 : index
    %swap3A_188 = tpu.vector_load %arg5[%swap3A_187] {strides = array<i32>} : memref<128xf32, #tpu.memory_space<vmem>>, vector<16xf32>,
    %swap3A_189 = vector.shape_cast %swap3A_188 : vector<16xf32> to vector<16xf32>
    %swap3A_190 = vector.shape_cast %broadcast_in_dim3A_3 : vector<16xf32> to vector<16xf32>
    tpu.vector_store %arg5[%swap3A_187], %swap3A_190 {strides = array<i32>} : memref<128xf32, #tpu.memory_space<vmem>>, vector<16xf32>,
    %swap3A_191 = arith.constant 112 : index
    %swap3A_192 = tpu.vector_load %arg5[%swap3A_191] {strides = array<i32>} : memref<128xf32, #tpu.memory_space<vmem>>, vector<16xf32>,
    %swap3A_193 = vector.shape_cast %swap3A_192 : vector<16xf32> to vector<16xf32>
    %swap3A_194 = vector.shape_cast %broadcast_in_dim3A_3 : vector<16xf32> to vector<16xf32>
    tpu.vector_store %arg5[%swap3A_191], %swap3A_194 {strides = array<i32>} : memref<128xf32, #tpu.memory_space<vmem>>, vector<16xf32>,
    %mul3A_195 = arith.constant 640 : i32
    %mul3A_196 = arith.muli %arg1, %mul3A_195 : i32
    "tpu.region"() ({
      %run_scoped3A = tpu.sem_alloc : memref<!tpu.dma_semaphore, #tpu.memory_space<semaphore_mem>>
      %dma_start3A = tpu.memref_slice %arg7[%mul3A_196] : memref<10240xf32, #tpu.memory_space<vmem_shared>> -> memref<640xf32, #tpu.memory_space<vmem_shared>>
      %dma_start3A_207 = tpu.memref_slice %arg7[%mul3A_196] : memref<10240xf32, #tpu.memory_space<vmem_shared>> -> memref<640xf32, #tpu.memory_space<vmem_shared>>
      tpu.enqueue_dma source(%arg6 : memref<640xf32, #tpu.memory_space<vmem>>) target(%dma_start3A_207 : memref<640xf32, #tpu.memory_space<vmem_shared>>) target_semaphore(%run_scoped3A : memref<!tpu.dma_semaphore, #tpu.memory_space<semaphore_mem>>)
      %dma_wait3A = tpu.memref_slice %arg7[%mul3A_196] : memref<10240xf32, #tpu.memory_space<vmem_shared>> -> memref<640xf32, #tpu.memory_space<vmem_shared>>
      %dma_wait3A_208 = tpu.memref_slice %arg7[%mul3A_196] : memref<10240xf32, #tpu.memory_space<vmem_shared>> -> memref<640xf32, #tpu.memory_space<vmem_shared>>
      tpu.wait_dma2 semaphore(%run_scoped3A : memref<!tpu.dma_semaphore, #tpu.memory_space<semaphore_mem>>) src(%arg6 : memref<640xf32, #tpu.memory_space<vmem>>) dst(%dma_wait3A_208 : memref<640xf32, #tpu.memory_space<vmem_shared>>)
      tpu.yield
    }) : () -> ()
    %barrier3A = arith.constant 0 : index
    tpu.barrier barrier_id(%barrier3A)
    "tpu.region"() ({
      %run_scoped3A = tpu.sem_alloc : memref<!tpu.dma_semaphore, #tpu.memory_space<semaphore_mem>>
      %dma_start3A = arith.constant 0 : i32
      %dma_start3A_207 = arith.constant 0 : i32
      %dma_start3A_208 = tpu.memref_slice %arg2[%add3A, %dma_start3A, %dma_start3A_207] : memref<32x80x128xi32, #tpu.memory_space<hbm>> -> memref<1x80x128xi32, #tpu.memory_space<hbm>>
      %dma_start3A_209 = tpu.memref_squeeze %dma_start3A_208 : memref<1x80x128xi32, #tpu.memory_space<hbm>> -> memref<80x128xi32, #tpu.memory_space<hbm>>
      %dma_start3A_210 = arith.constant 0 : i32
      %dma_start3A_211 = arith.constant 0 : i32
      %dma_start3A_212 = tpu.memref_slice %arg2[%add3A, %dma_start3A_210, %dma_start3A_211] : memref<32x80x128xi32, #tpu.memory_space<hbm>> -> memref<1x80x128xi32, #tpu.memory_space<hbm>>
      %dma_start3A_213 = tpu.memref_squeeze %dma_start3A_212 : memref<1x80x128xi32, #tpu.memory_space<hbm>> -> memref<80x128xi32, #tpu.memory_space<hbm>>
      tpu.enqueue_dma source(%dma_start3A_213 : memref<80x128xi32, #tpu.memory_space<hbm>>) target(%arg4 : memref<80x128xi32, #tpu.memory_space<vmem>>) target_semaphore(%run_scoped3A : memref<!tpu.dma_semaphore, #tpu.memory_space<semaphore_mem>>)
      %dma_wait3A = arith.constant 0 : i32
      %dma_wait3A_214 = arith.constant 0 : i32
      %dma_wait3A_215 = tpu.memref_slice %arg2[%add3A, %dma_wait3A, %dma_wait3A_214] : memref<32x80x128xi32, #tpu.memory_space<hbm>> -> memref<1x80x128xi32, #tpu.memory_space<hbm>>
      %dma_wait3A_216 = tpu.memref_squeeze %dma_wait3A_215 : memref<1x80x128xi32, #tpu.memory_space<hbm>> -> memref<80x128xi32, #tpu.memory_space<hbm>>
      %dma_wait3A_217 = arith.constant 0 : i32
      %dma_wait3A_218 = arith.constant 0 : i32
      %dma_wait3A_219 = tpu.memref_slice %arg2[%add3A, %dma_wait3A_217, %dma_wait3A_218] : memref<32x80x128xi32, #tpu.memory_space<hbm>> -> memref<1x80x128xi32, #tpu.memory_space<hbm>>
      %dma_wait3A_220 = tpu.memref_squeeze %dma_wait3A_219 : memref<1x80x128xi32, #tpu.memory_space<hbm>> -> memref<80x128xi32, #tpu.memory_space<hbm>>
      tpu.wait_dma2 semaphore(%run_scoped3A : memref<!tpu.dma_semaphore, #tpu.memory_space<semaphore_mem>>) src(%dma_wait3A_220 : memref<80x128xi32, #tpu.memory_space<hbm>>) dst(%arg4 : memref<80x128xi32, #tpu.memory_space<vmem>>)
      tpu.yield
    }) : () -> ()
    %scan3A = arith.constant 0 : i32
    %scan3A_197 = arith.constant 0 : i32
    %scan3A_198 = arith.constant 80 : i32
    %scan3A_199 = arith.addi %scan3A_197, %scan3A_198 : i32
    %scan3A_200 = arith.constant 1 : i32
    scf.for %scan3A_207 = %scan3A_197 to %scan3A_199 step %scan3A_200  : i32 {
      "tpu.region"() ({
        %run_scoped3A = tpu.sem_alloc : memref<!tpu.dma_semaphore, #tpu.memory_space<semaphore_mem>>
        %dma_start3A = arith.constant 0 : i32
        %dma_start3A_208 = tpu.memref_slice %arg4[%scan3A_207, %dma_start3A] : memref<80x128xi32, #tpu.memory_space<vmem>> -> memref<1x128xi32, #tpu.memory_space<vmem>>
        %dma_start3A_209 = tpu.memref_squeeze %dma_start3A_208 : memref<1x128xi32, #tpu.memory_space<vmem>> -> memref<128xi32, #tpu.memory_space<vmem>>
        %dma_start3A_210 = arith.constant 0 : i32
        %dma_start3A_211 = tpu.memref_slice %arg7[%dma_start3A_210] : memref<10240xf32, #tpu.memory_space<vmem_shared>> -> memref<10240xf32, #tpu.memory_space<vmem_shared>>
        tpu.enqueue_indirect_dma source(%arg5 : memref<128xf32, #tpu.memory_space<vmem>>) target(%dma_start3A_211 : memref<10240xf32, #tpu.memory_space<vmem_shared>>) offsets(%dma_start3A_209 : memref<128xi32, #tpu.memory_space<vmem>>) semaphore(%run_scoped3A : memref<!tpu.dma_semaphore, #tpu.memory_space<semaphore_mem>>) {add = true}
        %dma_wait3A = arith.constant 0 : i32
        %dma_wait3A_212 = tpu.memref_slice %arg4[%scan3A_207, %dma_wait3A] : memref<80x128xi32, #tpu.memory_space<vmem>> -> memref<1x128xi32, #tpu.memory_space<vmem>>
        %dma_wait3A_213 = tpu.memref_squeeze %dma_wait3A_212 : memref<1x128xi32, #tpu.memory_space<vmem>> -> memref<128xi32, #tpu.memory_space<vmem>>
        %dma_wait3A_214 = arith.constant 0 : i32
        %dma_wait3A_215 = tpu.memref_slice %arg7[%dma_wait3A_214] : memref<10240xf32, #tpu.memory_space<vmem_shared>> -> memref<10240xf32, #tpu.memory_space<vmem_shared>>
        tpu.wait_indirect_dma semaphore(%run_scoped3A : memref<!tpu.dma_semaphore, #tpu.memory_space<semaphore_mem>>) src(%arg5 : memref<128xf32, #tpu.memory_space<vmem>>) dst(%dma_wait3A_215 : memref<10240xf32, #tpu.memory_space<vmem_shared>>)
        tpu.yield
      }) : () -> ()
    }
    %scan3A_201 = arith.constant 80 : i32
    %barrier3A_202 = arith.constant 0 : index
    tpu.barrier barrier_id(%barrier3A_202)
    %mul3A_203 = arith.constant 640 : i32
    %mul3A_204 = arith.muli %arg1, %mul3A_203 : i32
    %mul3A_205 = arith.constant 640 : i32
    %mul3A_206 = arith.muli %arg1, %mul3A_205 : i32
    "tpu.region"() ({
      %run_scoped3A = tpu.sem_alloc : memref<!tpu.dma_semaphore, #tpu.memory_space<semaphore_mem>>
      %dma_start3A = tpu.memref_slice %arg3[%arg0, %mul3A_206] : memref<2x10240xf32, #tpu.memory_space<hbm>> -> memref<1x640xf32, #tpu.memory_space<hbm>>
      %dma_start3A_207 = tpu.memref_squeeze %dma_start3A : memref<1x640xf32, #tpu.memory_space<hbm>> -> memref<640xf32, #tpu.memory_space<hbm>>
      %dma_start3A_208 = tpu.memref_slice %arg7[%mul3A_204] : memref<10240xf32, #tpu.memory_space<vmem_shared>> -> memref<640xf32, #tpu.memory_space<vmem_shared>>
      tpu.enqueue_dma source(%dma_start3A_208 : memref<640xf32, #tpu.memory_space<vmem_shared>>) target(%dma_start3A_207 : memref<640xf32, #tpu.memory_space<hbm>>) target_semaphore(%run_scoped3A : memref<!tpu.dma_semaphore, #tpu.memory_space<semaphore_mem>>)
      %dma_wait3A = tpu.memref_slice %arg3[%arg0, %mul3A_206] : memref<2x10240xf32, #tpu.memory_space<hbm>> -> memref<1x640xf32, #tpu.memory_space<hbm>>
      %dma_wait3A_209 = tpu.memref_squeeze %dma_wait3A : memref<1x640xf32, #tpu.memory_space<hbm>> -> memref<640xf32, #tpu.memory_space<hbm>>
      %dma_wait3A_210 = tpu.memref_slice %arg7[%mul3A_204] : memref<10240xf32, #tpu.memory_space<vmem_shared>> -> memref<640xf32, #tpu.memory_space<vmem_shared>>
      tpu.wait_dma2 semaphore(%run_scoped3A : memref<!tpu.dma_semaphore, #tpu.memory_space<semaphore_mem>>) src(%dma_wait3A_210 : memref<640xf32, #tpu.memory_space<vmem_shared>>) dst(%dma_wait3A_209 : memref<640xf32, #tpu.memory_space<hbm>>)
      tpu.yield
    }) : () -> ()
    return
  }
}

#map = affine_map<(d0, d1) -> (0, 0, 0)>
#map1 = affine_map<(d0, d1) -> (0, 0)>
module attributes {stable_mosaic.version = 14 : i64} {
  func.func @_sc_agg_body(%arg0: i32, %arg1: i32, %arg2: memref<16x80x128xi32, #tpu.memory_space<hbm>>, %arg3: memref<16x80x128xi32, #tpu.memory_space<hbm>>, %arg4: memref<16x80x128xi32, #tpu.memory_space<hbm>>, %arg5: memref<16x80x128xi32, #tpu.memory_space<hbm>>, %arg6: memref<10240x128xf32, #tpu.memory_space<hbm>>, %arg7: memref<2x10240x128xf32, #tpu.memory_space<hbm>>, %arg8: memref<40x128xi32, #tpu.memory_space<vmem>>, %arg9: memref<40x128xi32, #tpu.memory_space<vmem>>, %arg10: memref<128x128xf32, #tpu.memory_space<vmem>>, %arg11: memref<128x128xf32, #tpu.memory_space<vmem>>, %arg12: memref<10240x128xf32, #tpu.memory_space<vmem_shared>>, %arg13: memref<!tpu.dma_semaphore, #tpu.memory_space<semaphore_mem>>, %arg14: memref<!tpu.dma_semaphore, #tpu.memory_space<semaphore_mem>>) attributes {dimension_semantics = [#tpu.dimension_semantics<core_parallel>, #tpu.dimension_semantics<subcore_parallel>], iteration_bounds = array<i64: 2, 16>, scalar_prefetch = 0 : i64, scratch_operands = 7 : i64, tpu.core_type = #tpu.core_type<sc_vector_subcore>, window_params = [{transform_indices = #map}, {transform_indices = #map}, {transform_indices = #map}, {transform_indices = #map}, {transform_indices = #map1}, {transform_indices = #map}]} {
    %broadcast_in_dim3A = arith.constant 0.000000e+00 : f32
    %broadcast_in_dim3A_0 = vector.broadcast %broadcast_in_dim3A : f32 to vector<16xf32>
    %scan3A = arith.constant 0 : i32
    %scan3A_1 = arith.constant 0 : i32
    %scan3A_2 = arith.constant 128 : i32
    %scan3A_3 = arith.addi %scan3A_1, %scan3A_2 : i32
    %scan3A_4 = arith.constant 1 : i32
    scf.for %scan3A_36 = %scan3A_1 to %scan3A_3 step %scan3A_4  : i32 {
      %swap3A = arith.index_cast %scan3A_36 : i32 to index
      %swap3A_37 = arith.constant 0 : index
      %swap3A_38 = tpu.vector_load %arg10[%swap3A, %swap3A_37] {strides = array<i32>} : memref<128x128xf32, #tpu.memory_space<vmem>>, vector<1x16xf32>,
      %swap3A_39 = vector.shape_cast %swap3A_38 : vector<1x16xf32> to vector<16xf32>
      %swap3A_40 = vector.shape_cast %broadcast_in_dim3A_0 : vector<16xf32> to vector<1x16xf32>
      tpu.vector_store %arg10[%swap3A, %swap3A_37], %swap3A_40 {strides = array<i32>} : memref<128x128xf32, #tpu.memory_space<vmem>>, vector<1x16xf32>,
      %swap3A_41 = arith.index_cast %scan3A_36 : i32 to index
      %swap3A_42 = arith.constant 16 : index
      %swap3A_43 = tpu.vector_load %arg10[%swap3A_41, %swap3A_42] {strides = array<i32>} : memref<128x128xf32, #tpu.memory_space<vmem>>, vector<1x16xf32>,
      %swap3A_44 = vector.shape_cast %swap3A_43 : vector<1x16xf32> to vector<16xf32>
      %swap3A_45 = vector.shape_cast %broadcast_in_dim3A_0 : vector<16xf32> to vector<1x16xf32>
      tpu.vector_store %arg10[%swap3A_41, %swap3A_42], %swap3A_45 {strides = array<i32>} : memref<128x128xf32, #tpu.memory_space<vmem>>, vector<1x16xf32>,
      %swap3A_46 = arith.index_cast %scan3A_36 : i32 to index
      %swap3A_47 = arith.constant 32 : index
      %swap3A_48 = tpu.vector_load %arg10[%swap3A_46, %swap3A_47] {strides = array<i32>} : memref<128x128xf32, #tpu.memory_space<vmem>>, vector<1x16xf32>,
      %swap3A_49 = vector.shape_cast %swap3A_48 : vector<1x16xf32> to vector<16xf32>
      %swap3A_50 = vector.shape_cast %broadcast_in_dim3A_0 : vector<16xf32> to vector<1x16xf32>
      tpu.vector_store %arg10[%swap3A_46, %swap3A_47], %swap3A_50 {strides = array<i32>} : memref<128x128xf32, #tpu.memory_space<vmem>>, vector<1x16xf32>,
      %swap3A_51 = arith.index_cast %scan3A_36 : i32 to index
      %swap3A_52 = arith.constant 48 : index
      %swap3A_53 = tpu.vector_load %arg10[%swap3A_51, %swap3A_52] {strides = array<i32>} : memref<128x128xf32, #tpu.memory_space<vmem>>, vector<1x16xf32>,
      %swap3A_54 = vector.shape_cast %swap3A_53 : vector<1x16xf32> to vector<16xf32>
      %swap3A_55 = vector.shape_cast %broadcast_in_dim3A_0 : vector<16xf32> to vector<1x16xf32>
      tpu.vector_store %arg10[%swap3A_51, %swap3A_52], %swap3A_55 {strides = array<i32>} : memref<128x128xf32, #tpu.memory_space<vmem>>, vector<1x16xf32>,
      %swap3A_56 = arith.index_cast %scan3A_36 : i32 to index
      %swap3A_57 = arith.constant 64 : index
      %swap3A_58 = tpu.vector_load %arg10[%swap3A_56, %swap3A_57] {strides = array<i32>} : memref<128x128xf32, #tpu.memory_space<vmem>>, vector<1x16xf32>,
      %swap3A_59 = vector.shape_cast %swap3A_58 : vector<1x16xf32> to vector<16xf32>
      %swap3A_60 = vector.shape_cast %broadcast_in_dim3A_0 : vector<16xf32> to vector<1x16xf32>
      tpu.vector_store %arg10[%swap3A_56, %swap3A_57], %swap3A_60 {strides = array<i32>} : memref<128x128xf32, #tpu.memory_space<vmem>>, vector<1x16xf32>,
      %swap3A_61 = arith.index_cast %scan3A_36 : i32 to index
      %swap3A_62 = arith.constant 80 : index
      %swap3A_63 = tpu.vector_load %arg10[%swap3A_61, %swap3A_62] {strides = array<i32>} : memref<128x128xf32, #tpu.memory_space<vmem>>, vector<1x16xf32>,
      %swap3A_64 = vector.shape_cast %swap3A_63 : vector<1x16xf32> to vector<16xf32>
      %swap3A_65 = vector.shape_cast %broadcast_in_dim3A_0 : vector<16xf32> to vector<1x16xf32>
      tpu.vector_store %arg10[%swap3A_61, %swap3A_62], %swap3A_65 {strides = array<i32>} : memref<128x128xf32, #tpu.memory_space<vmem>>, vector<1x16xf32>,
      %swap3A_66 = arith.index_cast %scan3A_36 : i32 to index
      %swap3A_67 = arith.constant 96 : index
      %swap3A_68 = tpu.vector_load %arg10[%swap3A_66, %swap3A_67] {strides = array<i32>} : memref<128x128xf32, #tpu.memory_space<vmem>>, vector<1x16xf32>,
      %swap3A_69 = vector.shape_cast %swap3A_68 : vector<1x16xf32> to vector<16xf32>
      %swap3A_70 = vector.shape_cast %broadcast_in_dim3A_0 : vector<16xf32> to vector<1x16xf32>
      tpu.vector_store %arg10[%swap3A_66, %swap3A_67], %swap3A_70 {strides = array<i32>} : memref<128x128xf32, #tpu.memory_space<vmem>>, vector<1x16xf32>,
      %swap3A_71 = arith.index_cast %scan3A_36 : i32 to index
      %swap3A_72 = arith.constant 112 : index
      %swap3A_73 = tpu.vector_load %arg10[%swap3A_71, %swap3A_72] {strides = array<i32>} : memref<128x128xf32, #tpu.memory_space<vmem>>, vector<1x16xf32>,
      %swap3A_74 = vector.shape_cast %swap3A_73 : vector<1x16xf32> to vector<16xf32>
      %swap3A_75 = vector.shape_cast %broadcast_in_dim3A_0 : vector<16xf32> to vector<1x16xf32>
      tpu.vector_store %arg10[%swap3A_71, %swap3A_72], %swap3A_75 {strides = array<i32>} : memref<128x128xf32, #tpu.memory_space<vmem>>, vector<1x16xf32>,
    }
    %scan3A_5 = arith.constant 128 : i32
    %mul3A = arith.constant 640 : i32
    %mul3A_6 = arith.muli %arg1, %mul3A : i32
    %add3A = arith.constant 0 : i32
    %add3A_7 = arith.addi %mul3A_6, %add3A : i32
    "tpu.region"() ({
      %run_scoped3A = tpu.sem_alloc : memref<!tpu.dma_semaphore, #tpu.memory_space<semaphore_mem>>
      %dma_start3A = arith.constant 0 : i32
      %dma_start3A_36 = tpu.memref_slice %arg12[%add3A_7, %dma_start3A] : memref<10240x128xf32, #tpu.memory_space<vmem_shared>> -> memref<128x128xf32, #tpu.memory_space<vmem_shared>>
      %dma_start3A_37 = arith.constant 0 : i32
      %dma_start3A_38 = tpu.memref_slice %arg12[%add3A_7, %dma_start3A_37] : memref<10240x128xf32, #tpu.memory_space<vmem_shared>> -> memref<128x128xf32, #tpu.memory_space<vmem_shared>>
      tpu.enqueue_dma source(%arg10 : memref<128x128xf32, #tpu.memory_space<vmem>>) target(%dma_start3A_38 : memref<128x128xf32, #tpu.memory_space<vmem_shared>>) target_semaphore(%run_scoped3A : memref<!tpu.dma_semaphore, #tpu.memory_space<semaphore_mem>>)
      %dma_wait3A = arith.constant 0 : i32
      %dma_wait3A_39 = tpu.memref_slice %arg12[%add3A_7, %dma_wait3A] : memref<10240x128xf32, #tpu.memory_space<vmem_shared>> -> memref<128x128xf32, #tpu.memory_space<vmem_shared>>
      %dma_wait3A_40 = arith.constant 0 : i32
      %dma_wait3A_41 = tpu.memref_slice %arg12[%add3A_7, %dma_wait3A_40] : memref<10240x128xf32, #tpu.memory_space<vmem_shared>> -> memref<128x128xf32, #tpu.memory_space<vmem_shared>>
      tpu.wait_dma2 semaphore(%run_scoped3A : memref<!tpu.dma_semaphore, #tpu.memory_space<semaphore_mem>>) src(%arg10 : memref<128x128xf32, #tpu.memory_space<vmem>>) dst(%dma_wait3A_41 : memref<128x128xf32, #tpu.memory_space<vmem_shared>>)
      tpu.yield
    }) : () -> ()
    %mul3A_8 = arith.constant 640 : i32
    %mul3A_9 = arith.muli %arg1, %mul3A_8 : i32
    %add3A_10 = arith.constant 128 : i32
    %add3A_11 = arith.addi %mul3A_9, %add3A_10 : i32
    "tpu.region"() ({
      %run_scoped3A = tpu.sem_alloc : memref<!tpu.dma_semaphore, #tpu.memory_space<semaphore_mem>>
      %dma_start3A = arith.constant 0 : i32
      %dma_start3A_36 = tpu.memref_slice %arg12[%add3A_11, %dma_start3A] : memref<10240x128xf32, #tpu.memory_space<vmem_shared>> -> memref<128x128xf32, #tpu.memory_space<vmem_shared>>
      %dma_start3A_37 = arith.constant 0 : i32
      %dma_start3A_38 = tpu.memref_slice %arg12[%add3A_11, %dma_start3A_37] : memref<10240x128xf32, #tpu.memory_space<vmem_shared>> -> memref<128x128xf32, #tpu.memory_space<vmem_shared>>
      tpu.enqueue_dma source(%arg10 : memref<128x128xf32, #tpu.memory_space<vmem>>) target(%dma_start3A_38 : memref<128x128xf32, #tpu.memory_space<vmem_shared>>) target_semaphore(%run_scoped3A : memref<!tpu.dma_semaphore, #tpu.memory_space<semaphore_mem>>)
      %dma_wait3A = arith.constant 0 : i32
      %dma_wait3A_39 = tpu.memref_slice %arg12[%add3A_11, %dma_wait3A] : memref<10240x128xf32, #tpu.memory_space<vmem_shared>> -> memref<128x128xf32, #tpu.memory_space<vmem_shared>>
      %dma_wait3A_40 = arith.constant 0 : i32
      %dma_wait3A_41 = tpu.memref_slice %arg12[%add3A_11, %dma_wait3A_40] : memref<10240x128xf32, #tpu.memory_space<vmem_shared>> -> memref<128x128xf32, #tpu.memory_space<vmem_shared>>
      tpu.wait_dma2 semaphore(%run_scoped3A : memref<!tpu.dma_semaphore, #tpu.memory_space<semaphore_mem>>) src(%arg10 : memref<128x128xf32, #tpu.memory_space<vmem>>) dst(%dma_wait3A_41 : memref<128x128xf32, #tpu.memory_space<vmem_shared>>)
      tpu.yield
    }) : () -> ()
    %mul3A_12 = arith.constant 640 : i32
    %mul3A_13 = arith.muli %arg1, %mul3A_12 : i32
    %add3A_14 = arith.constant 256 : i32
    %add3A_15 = arith.addi %mul3A_13, %add3A_14 : i32
    "tpu.region"() ({
      %run_scoped3A = tpu.sem_alloc : memref<!tpu.dma_semaphore, #tpu.memory_space<semaphore_mem>>
      %dma_start3A = arith.constant 0 : i32
      %dma_start3A_36 = tpu.memref_slice %arg12[%add3A_15, %dma_start3A] : memref<10240x128xf32, #tpu.memory_space<vmem_shared>> -> memref<128x128xf32, #tpu.memory_space<vmem_shared>>
      %dma_start3A_37 = arith.constant 0 : i32
      %dma_start3A_38 = tpu.memref_slice %arg12[%add3A_15, %dma_start3A_37] : memref<10240x128xf32, #tpu.memory_space<vmem_shared>> -> memref<128x128xf32, #tpu.memory_space<vmem_shared>>
      tpu.enqueue_dma source(%arg10 : memref<128x128xf32, #tpu.memory_space<vmem>>) target(%dma_start3A_38 : memref<128x128xf32, #tpu.memory_space<vmem_shared>>) target_semaphore(%run_scoped3A : memref<!tpu.dma_semaphore, #tpu.memory_space<semaphore_mem>>)
      %dma_wait3A = arith.constant 0 : i32
      %dma_wait3A_39 = tpu.memref_slice %arg12[%add3A_15, %dma_wait3A] : memref<10240x128xf32, #tpu.memory_space<vmem_shared>> -> memref<128x128xf32, #tpu.memory_space<vmem_shared>>
      %dma_wait3A_40 = arith.constant 0 : i32
      %dma_wait3A_41 = tpu.memref_slice %arg12[%add3A_15, %dma_wait3A_40] : memref<10240x128xf32, #tpu.memory_space<vmem_shared>> -> memref<128x128xf32, #tpu.memory_space<vmem_shared>>
      tpu.wait_dma2 semaphore(%run_scoped3A : memref<!tpu.dma_semaphore, #tpu.memory_space<semaphore_mem>>) src(%arg10 : memref<128x128xf32, #tpu.memory_space<vmem>>) dst(%dma_wait3A_41 : memref<128x128xf32, #tpu.memory_space<vmem_shared>>)
      tpu.yield
    }) : () -> ()
    %mul3A_16 = arith.constant 640 : i32
    %mul3A_17 = arith.muli %arg1, %mul3A_16 : i32
    %add3A_18 = arith.constant 384 : i32
    %add3A_19 = arith.addi %mul3A_17, %add3A_18 : i32
    "tpu.region"() ({
      %run_scoped3A = tpu.sem_alloc : memref<!tpu.dma_semaphore, #tpu.memory_space<semaphore_mem>>
      %dma_start3A = arith.constant 0 : i32
      %dma_start3A_36 = tpu.memref_slice %arg12[%add3A_19, %dma_start3A] : memref<10240x128xf32, #tpu.memory_space<vmem_shared>> -> memref<128x128xf32, #tpu.memory_space<vmem_shared>>
      %dma_start3A_37 = arith.constant 0 : i32
      %dma_start3A_38 = tpu.memref_slice %arg12[%add3A_19, %dma_start3A_37] : memref<10240x128xf32, #tpu.memory_space<vmem_shared>> -> memref<128x128xf32, #tpu.memory_space<vmem_shared>>
      tpu.enqueue_dma source(%arg10 : memref<128x128xf32, #tpu.memory_space<vmem>>) target(%dma_start3A_38 : memref<128x128xf32, #tpu.memory_space<vmem_shared>>) target_semaphore(%run_scoped3A : memref<!tpu.dma_semaphore, #tpu.memory_space<semaphore_mem>>)
      %dma_wait3A = arith.constant 0 : i32
      %dma_wait3A_39 = tpu.memref_slice %arg12[%add3A_19, %dma_wait3A] : memref<10240x128xf32, #tpu.memory_space<vmem_shared>> -> memref<128x128xf32, #tpu.memory_space<vmem_shared>>
      %dma_wait3A_40 = arith.constant 0 : i32
      %dma_wait3A_41 = tpu.memref_slice %arg12[%add3A_19, %dma_wait3A_40] : memref<10240x128xf32, #tpu.memory_space<vmem_shared>> -> memref<128x128xf32, #tpu.memory_space<vmem_shared>>
      tpu.wait_dma2 semaphore(%run_scoped3A : memref<!tpu.dma_semaphore, #tpu.memory_space<semaphore_mem>>) src(%arg10 : memref<128x128xf32, #tpu.memory_space<vmem>>) dst(%dma_wait3A_41 : memref<128x128xf32, #tpu.memory_space<vmem_shared>>)
      tpu.yield
    }) : () -> ()
    %mul3A_20 = arith.constant 640 : i32
    %mul3A_21 = arith.muli %arg1, %mul3A_20 : i32
    %add3A_22 = arith.constant 512 : i32
    %add3A_23 = arith.addi %mul3A_21, %add3A_22 : i32
    "tpu.region"() ({
      %run_scoped3A = tpu.sem_alloc : memref<!tpu.dma_semaphore, #tpu.memory_space<semaphore_mem>>
      %dma_start3A = arith.constant 0 : i32
      %dma_start3A_36 = tpu.memref_slice %arg12[%add3A_23, %dma_start3A] : memref<10240x128xf32, #tpu.memory_space<vmem_shared>> -> memref<128x128xf32, #tpu.memory_space<vmem_shared>>
      %dma_start3A_37 = arith.constant 0 : i32
      %dma_start3A_38 = tpu.memref_slice %arg12[%add3A_23, %dma_start3A_37] : memref<10240x128xf32, #tpu.memory_space<vmem_shared>> -> memref<128x128xf32, #tpu.memory_space<vmem_shared>>
      tpu.enqueue_dma source(%arg10 : memref<128x128xf32, #tpu.memory_space<vmem>>) target(%dma_start3A_38 : memref<128x128xf32, #tpu.memory_space<vmem_shared>>) target_semaphore(%run_scoped3A : memref<!tpu.dma_semaphore, #tpu.memory_space<semaphore_mem>>)
      %dma_wait3A = arith.constant 0 : i32
      %dma_wait3A_39 = tpu.memref_slice %arg12[%add3A_23, %dma_wait3A] : memref<10240x128xf32, #tpu.memory_space<vmem_shared>> -> memref<128x128xf32, #tpu.memory_space<vmem_shared>>
      %dma_wait3A_40 = arith.constant 0 : i32
      %dma_wait3A_41 = tpu.memref_slice %arg12[%add3A_23, %dma_wait3A_40] : memref<10240x128xf32, #tpu.memory_space<vmem_shared>> -> memref<128x128xf32, #tpu.memory_space<vmem_shared>>
      tpu.wait_dma2 semaphore(%run_scoped3A : memref<!tpu.dma_semaphore, #tpu.memory_space<semaphore_mem>>) src(%arg10 : memref<128x128xf32, #tpu.memory_space<vmem>>) dst(%dma_wait3A_41 : memref<128x128xf32, #tpu.memory_space<vmem_shared>>)
      tpu.yield
    }) : () -> ()
    %barrier3A = arith.constant 0 : index
    tpu.barrier barrier_id(%barrier3A)
    %eq3A = arith.constant 0 : i32
    %eq3A_24 = arith.cmpi eq, %arg0, %eq3A : i32
    %convert_element_type3A = arith.extui %eq3A_24 : i1 to i32
    %cond3A = arith.constant 0 : i32
    %cond3A_25 = arith.cmpi ne, %convert_element_type3A, %cond3A : i32
    scf.if %cond3A_25 {
      "tpu.region"() ({
        %run_scoped3A = tpu.sem_alloc : memref<!tpu.dma_semaphore, #tpu.memory_space<semaphore_mem>>
        %dma_start3A_61 = arith.constant 0 : i32
        %dma_start3A_62 = arith.constant 0 : i32
        %dma_start3A_63 = tpu.memref_slice %arg2[%arg1, %dma_start3A_61, %dma_start3A_62] : memref<16x80x128xi32, #tpu.memory_space<hbm>> -> memref<1x40x128xi32, #tpu.memory_space<hbm>>
        %dma_start3A_64 = tpu.memref_squeeze %dma_start3A_63 : memref<1x40x128xi32, #tpu.memory_space<hbm>> -> memref<40x128xi32, #tpu.memory_space<hbm>>
        %dma_start3A_65 = arith.constant 0 : i32
        %dma_start3A_66 = arith.constant 0 : i32
        %dma_start3A_67 = tpu.memref_slice %arg2[%arg1, %dma_start3A_65, %dma_start3A_66] : memref<16x80x128xi32, #tpu.memory_space<hbm>> -> memref<1x40x128xi32, #tpu.memory_space<hbm>>
        %dma_start3A_68 = tpu.memref_squeeze %dma_start3A_67 : memref<1x40x128xi32, #tpu.memory_space<hbm>> -> memref<40x128xi32, #tpu.memory_space<hbm>>
        tpu.enqueue_dma source(%dma_start3A_68 : memref<40x128xi32, #tpu.memory_space<hbm>>) target(%arg8 : memref<40x128xi32, #tpu.memory_space<vmem>>) target_semaphore(%run_scoped3A : memref<!tpu.dma_semaphore, #tpu.memory_space<semaphore_mem>>)
        %dma_wait3A = arith.constant 0 : i32
        %dma_wait3A_69 = arith.constant 0 : i32
        %dma_wait3A_70 = tpu.memref_slice %arg2[%arg1, %dma_wait3A, %dma_wait3A_69] : memref<16x80x128xi32, #tpu.memory_space<hbm>> -> memref<1x40x128xi32, #tpu.memory_space<hbm>>
        %dma_wait3A_71 = tpu.memref_squeeze %dma_wait3A_70 : memref<1x40x128xi32, #tpu.memory_space<hbm>> -> memref<40x128xi32, #tpu.memory_space<hbm>>
        %dma_wait3A_72 = arith.constant 0 : i32
        %dma_wait3A_73 = arith.constant 0 : i32
        %dma_wait3A_74 = tpu.memref_slice %arg2[%arg1, %dma_wait3A_72, %dma_wait3A_73] : memref<16x80x128xi32, #tpu.memory_space<hbm>> -> memref<1x40x128xi32, #tpu.memory_space<hbm>>
        %dma_wait3A_75 = tpu.memref_squeeze %dma_wait3A_74 : memref<1x40x128xi32, #tpu.memory_space<hbm>> -> memref<40x128xi32, #tpu.memory_space<hbm>>
        tpu.wait_dma2 semaphore(%run_scoped3A : memref<!tpu.dma_semaphore, #tpu.memory_space<semaphore_mem>>) src(%dma_wait3A_75 : memref<40x128xi32, #tpu.memory_space<hbm>>) dst(%arg8 : memref<40x128xi32, #tpu.memory_space<vmem>>)
        tpu.yield
      }) : () -> ()
      "tpu.region"() ({
        %run_scoped3A = tpu.sem_alloc : memref<!tpu.dma_semaphore, #tpu.memory_space<semaphore_mem>>
        %dma_start3A_61 = arith.constant 0 : i32
        %dma_start3A_62 = arith.constant 0 : i32
        %dma_start3A_63 = tpu.memref_slice %arg3[%arg1, %dma_start3A_61, %dma_start3A_62] : memref<16x80x128xi32, #tpu.memory_space<hbm>> -> memref<1x40x128xi32, #tpu.memory_space<hbm>>
        %dma_start3A_64 = tpu.memref_squeeze %dma_start3A_63 : memref<1x40x128xi32, #tpu.memory_space<hbm>> -> memref<40x128xi32, #tpu.memory_space<hbm>>
        %dma_start3A_65 = arith.constant 0 : i32
        %dma_start3A_66 = arith.constant 0 : i32
        %dma_start3A_67 = tpu.memref_slice %arg3[%arg1, %dma_start3A_65, %dma_start3A_66] : memref<16x80x128xi32, #tpu.memory_space<hbm>> -> memref<1x40x128xi32, #tpu.memory_space<hbm>>
        %dma_start3A_68 = tpu.memref_squeeze %dma_start3A_67 : memref<1x40x128xi32, #tpu.memory_space<hbm>> -> memref<40x128xi32, #tpu.memory_space<hbm>>
        tpu.enqueue_dma source(%dma_start3A_68 : memref<40x128xi32, #tpu.memory_space<hbm>>) target(%arg9 : memref<40x128xi32, #tpu.memory_space<vmem>>) target_semaphore(%run_scoped3A : memref<!tpu.dma_semaphore, #tpu.memory_space<semaphore_mem>>)
        %dma_wait3A = arith.constant 0 : i32
        %dma_wait3A_69 = arith.constant 0 : i32
        %dma_wait3A_70 = tpu.memref_slice %arg3[%arg1, %dma_wait3A, %dma_wait3A_69] : memref<16x80x128xi32, #tpu.memory_space<hbm>> -> memref<1x40x128xi32, #tpu.memory_space<hbm>>
        %dma_wait3A_71 = tpu.memref_squeeze %dma_wait3A_70 : memref<1x40x128xi32, #tpu.memory_space<hbm>> -> memref<40x128xi32, #tpu.memory_space<hbm>>
        %dma_wait3A_72 = arith.constant 0 : i32
        %dma_wait3A_73 = arith.constant 0 : i32
        %dma_wait3A_74 = tpu.memref_slice %arg3[%arg1, %dma_wait3A_72, %dma_wait3A_73] : memref<16x80x128xi32, #tpu.memory_space<hbm>> -> memref<1x40x128xi32, #tpu.memory_space<hbm>>
        %dma_wait3A_75 = tpu.memref_squeeze %dma_wait3A_74 : memref<1x40x128xi32, #tpu.memory_space<hbm>> -> memref<40x128xi32, #tpu.memory_space<hbm>>
        tpu.wait_dma2 semaphore(%run_scoped3A : memref<!tpu.dma_semaphore, #tpu.memory_space<semaphore_mem>>) src(%dma_wait3A_75 : memref<40x128xi32, #tpu.memory_space<hbm>>) dst(%arg9 : memref<40x128xi32, #tpu.memory_space<vmem>>)
        tpu.yield
      }) : () -> ()
      %dma_start3A = arith.constant 0 : i32
      %dma_start3A_36 = arith.constant 0 : i32
      %dma_start3A_37 = tpu.memref_slice %arg8[%dma_start3A, %dma_start3A_36] : memref<40x128xi32, #tpu.memory_space<vmem>> -> memref<1x128xi32, #tpu.memory_space<vmem>>
      %dma_start3A_38 = tpu.memref_squeeze %dma_start3A_37 : memref<1x128xi32, #tpu.memory_space<vmem>> -> memref<128xi32, #tpu.memory_space<vmem>>
      %dma_start3A_39 = arith.constant 0 : i32
      %dma_start3A_40 = arith.constant 0 : i32
      %dma_start3A_41 = tpu.memref_slice %arg6[%dma_start3A_39, %dma_start3A_40] : memref<10240x128xf32, #tpu.memory_space<hbm>> -> memref<10240x128xf32, #tpu.memory_space<hbm>>
      tpu.enqueue_indirect_dma source(%dma_start3A_41 : memref<10240x128xf32, #tpu.memory_space<hbm>>) target(%arg10 : memref<128x128xf32, #tpu.memory_space<vmem>>) offsets(%dma_start3A_38 : memref<128xi32, #tpu.memory_space<vmem>>) semaphore(%arg13 : memref<!tpu.dma_semaphore, #tpu.memory_space<semaphore_mem>>)
      %scan3A_42 = arith.constant 0 : i32
      %scan3A_43 = arith.constant 0 : i32
      %scan3A_44 = arith.constant 20 : i32
      %scan3A_45 = arith.addi %scan3A_43, %scan3A_44 : i32
      %scan3A_46 = arith.constant 1 : i32
      scf.for %scan3A_61 = %scan3A_43 to %scan3A_45 step %scan3A_46  : i32 {
        %mul3A_62 = arith.constant 2 : i32
        %mul3A_63 = arith.muli %scan3A_61, %mul3A_62 : i32
        %add3A_64 = arith.constant 0 : i32
        %add3A_65 = arith.addi %mul3A_63, %add3A_64 : i32
        %dma_wait3A = arith.constant 0 : i32
        %dma_wait3A_66 = tpu.memref_slice %arg8[%add3A_65, %dma_wait3A] : memref<40x128xi32, #tpu.memory_space<vmem>> -> memref<1x128xi32, #tpu.memory_space<vmem>>
        %dma_wait3A_67 = tpu.memref_squeeze %dma_wait3A_66 : memref<1x128xi32, #tpu.memory_space<vmem>> -> memref<128xi32, #tpu.memory_space<vmem>>
        %dma_wait3A_68 = arith.constant 0 : i32
        %dma_wait3A_69 = arith.constant 0 : i32
        %dma_wait3A_70 = tpu.memref_slice %arg6[%dma_wait3A_68, %dma_wait3A_69] : memref<10240x128xf32, #tpu.memory_space<hbm>> -> memref<10240x128xf32, #tpu.memory_space<hbm>>
        tpu.wait_indirect_dma semaphore(%arg13 : memref<!tpu.dma_semaphore, #tpu.memory_space<semaphore_mem>>) src(%dma_wait3A_70 : memref<10240x128xf32, #tpu.memory_space<hbm>>) dst(%arg10 : memref<128x128xf32, #tpu.memory_space<vmem>>)
        %lt3A = arith.constant 39 : i32
        %lt3A_71 = arith.cmpi slt, %add3A_65, %lt3A : i32
        %convert_element_type3A_72 = arith.extui %lt3A_71 : i1 to i32
        %cond3A_73 = arith.constant 0 : i32
        %cond3A_74 = arith.cmpi ne, %convert_element_type3A_72, %cond3A_73 : i32
        scf.if %cond3A_74 {
          %add3A_90 = arith.constant 1 : i32
          %add3A_91 = arith.addi %add3A_65, %add3A_90 : i32
          %dma_start3A_92 = arith.constant 0 : i32
          %dma_start3A_93 = tpu.memref_slice %arg8[%add3A_91, %dma_start3A_92] : memref<40x128xi32, #tpu.memory_space<vmem>> -> memref<1x128xi32, #tpu.memory_space<vmem>>
          %dma_start3A_94 = tpu.memref_squeeze %dma_start3A_93 : memref<1x128xi32, #tpu.memory_space<vmem>> -> memref<128xi32, #tpu.memory_space<vmem>>
          %dma_start3A_95 = arith.constant 0 : i32
          %dma_start3A_96 = arith.constant 0 : i32
          %dma_start3A_97 = tpu.memref_slice %arg6[%dma_start3A_95, %dma_start3A_96] : memref<10240x128xf32, #tpu.memory_space<hbm>> -> memref<10240x128xf32, #tpu.memory_space<hbm>>
          tpu.enqueue_indirect_dma source(%dma_start3A_97 : memref<10240x128xf32, #tpu.memory_space<hbm>>) target(%arg11 : memref<128x128xf32, #tpu.memory_space<vmem>>) offsets(%dma_start3A_94 : memref<128xi32, #tpu.memory_space<vmem>>) semaphore(%arg14 : memref<!tpu.dma_semaphore, #tpu.memory_space<semaphore_mem>>)
        } else {
        }
        "tpu.region"() ({
          %run_scoped3A = tpu.sem_alloc : memref<!tpu.dma_semaphore, #tpu.memory_space<semaphore_mem>>
          %dma_start3A_90 = arith.constant 0 : i32
          %dma_start3A_91 = tpu.memref_slice %arg9[%add3A_65, %dma_start3A_90] : memref<40x128xi32, #tpu.memory_space<vmem>> -> memref<1x128xi32, #tpu.memory_space<vmem>>
          %dma_start3A_92 = tpu.memref_squeeze %dma_start3A_91 : memref<1x128xi32, #tpu.memory_space<vmem>> -> memref<128xi32, #tpu.memory_space<vmem>>
          %dma_start3A_93 = arith.constant 0 : i32
          %dma_start3A_94 = arith.constant 0 : i32
          %dma_start3A_95 = tpu.memref_slice %arg12[%dma_start3A_93, %dma_start3A_94] : memref<10240x128xf32, #tpu.memory_space<vmem_shared>> -> memref<10240x128xf32, #tpu.memory_space<vmem_shared>>
          tpu.enqueue_indirect_dma source(%arg10 : memref<128x128xf32, #tpu.memory_space<vmem>>) target(%dma_start3A_95 : memref<10240x128xf32, #tpu.memory_space<vmem_shared>>) offsets(%dma_start3A_92 : memref<128xi32, #tpu.memory_space<vmem>>) semaphore(%run_scoped3A : memref<!tpu.dma_semaphore, #tpu.memory_space<semaphore_mem>>) {add = true}
          %dma_wait3A_96 = arith.constant 0 : i32
          %dma_wait3A_97 = tpu.memref_slice %arg9[%add3A_65, %dma_wait3A_96] : memref<40x128xi32, #tpu.memory_space<vmem>> -> memref<1x128xi32, #tpu.memory_space<vmem>>
          %dma_wait3A_98 = tpu.memref_squeeze %dma_wait3A_97 : memref<1x128xi32, #tpu.memory_space<vmem>> -> memref<128xi32, #tpu.memory_space<vmem>>
          %dma_wait3A_99 = arith.constant 0 : i32
          %dma_wait3A_100 = arith.constant 0 : i32
          %dma_wait3A_101 = tpu.memref_slice %arg12[%dma_wait3A_99, %dma_wait3A_100] : memref<10240x128xf32, #tpu.memory_space<vmem_shared>> -> memref<10240x128xf32, #tpu.memory_space<vmem_shared>>
          tpu.wait_indirect_dma semaphore(%run_scoped3A : memref<!tpu.dma_semaphore, #tpu.memory_space<semaphore_mem>>) src(%arg10 : memref<128x128xf32, #tpu.memory_space<vmem>>) dst(%dma_wait3A_101 : memref<10240x128xf32, #tpu.memory_space<vmem_shared>>)
          tpu.yield
        }) : () -> ()
        %mul3A_75 = arith.constant 2 : i32
        %mul3A_76 = arith.muli %scan3A_61, %mul3A_75 : i32
        %add3A_77 = arith.constant 1 : i32
        %add3A_78 = arith.addi %mul3A_76, %add3A_77 : i32
        %dma_wait3A_79 = arith.constant 0 : i32
        %dma_wait3A_80 = tpu.memref_slice %arg8[%add3A_78, %dma_wait3A_79] : memref<40x128xi32, #tpu.memory_space<vmem>> -> memref<1x128xi32, #tpu.memory_space<vmem>>
        %dma_wait3A_81 = tpu.memref_squeeze %dma_wait3A_80 : memref<1x128xi32, #tpu.memory_space<vmem>> -> memref<128xi32, #tpu.memory_space<vmem>>
        %dma_wait3A_82 = arith.constant 0 : i32
        %dma_wait3A_83 = arith.constant 0 : i32
        %dma_wait3A_84 = tpu.memref_slice %arg6[%dma_wait3A_82, %dma_wait3A_83] : memref<10240x128xf32, #tpu.memory_space<hbm>> -> memref<10240x128xf32, #tpu.memory_space<hbm>>
        tpu.wait_indirect_dma semaphore(%arg14 : memref<!tpu.dma_semaphore, #tpu.memory_space<semaphore_mem>>) src(%dma_wait3A_84 : memref<10240x128xf32, #tpu.memory_space<hbm>>) dst(%arg11 : memref<128x128xf32, #tpu.memory_space<vmem>>)
        %lt3A_85 = arith.constant 39 : i32
        %lt3A_86 = arith.cmpi slt, %add3A_78, %lt3A_85 : i32
        %convert_element_type3A_87 = arith.extui %lt3A_86 : i1 to i32
        %cond3A_88 = arith.constant 0 : i32
        %cond3A_89 = arith.cmpi ne, %convert_element_type3A_87, %cond3A_88 : i32
        scf.if %cond3A_89 {
          %add3A_90 = arith.constant 1 : i32
          %add3A_91 = arith.addi %add3A_78, %add3A_90 : i32
          %dma_start3A_92 = arith.constant 0 : i32
          %dma_start3A_93 = tpu.memref_slice %arg8[%add3A_91, %dma_start3A_92] : memref<40x128xi32, #tpu.memory_space<vmem>> -> memref<1x128xi32, #tpu.memory_space<vmem>>
          %dma_start3A_94 = tpu.memref_squeeze %dma_start3A_93 : memref<1x128xi32, #tpu.memory_space<vmem>> -> memref<128xi32, #tpu.memory_space<vmem>>
          %dma_start3A_95 = arith.constant 0 : i32
          %dma_start3A_96 = arith.constant 0 : i32
          %dma_start3A_97 = tpu.memref_slice %arg6[%dma_start3A_95, %dma_start3A_96] : memref<10240x128xf32, #tpu.memory_space<hbm>> -> memref<10240x128xf32, #tpu.memory_space<hbm>>
          tpu.enqueue_indirect_dma source(%dma_start3A_97 : memref<10240x128xf32, #tpu.memory_space<hbm>>) target(%arg10 : memref<128x128xf32, #tpu.memory_space<vmem>>) offsets(%dma_start3A_94 : memref<128xi32, #tpu.memory_space<vmem>>) semaphore(%arg13 : memref<!tpu.dma_semaphore, #tpu.memory_space<semaphore_mem>>)
        } else {
        }
        "tpu.region"() ({
          %run_scoped3A = tpu.sem_alloc : memref<!tpu.dma_semaphore, #tpu.memory_space<semaphore_mem>>
          %dma_start3A_90 = arith.constant 0 : i32
          %dma_start3A_91 = tpu.memref_slice %arg9[%add3A_78, %dma_start3A_90] : memref<40x128xi32, #tpu.memory_space<vmem>> -> memref<1x128xi32, #tpu.memory_space<vmem>>
          %dma_start3A_92 = tpu.memref_squeeze %dma_start3A_91 : memref<1x128xi32, #tpu.memory_space<vmem>> -> memref<128xi32, #tpu.memory_space<vmem>>
          %dma_start3A_93 = arith.constant 0 : i32
          %dma_start3A_94 = arith.constant 0 : i32
          %dma_start3A_95 = tpu.memref_slice %arg12[%dma_start3A_93, %dma_start3A_94] : memref<10240x128xf32, #tpu.memory_space<vmem_shared>> -> memref<10240x128xf32, #tpu.memory_space<vmem_shared>>
          tpu.enqueue_indirect_dma source(%arg11 : memref<128x128xf32, #tpu.memory_space<vmem>>) target(%dma_start3A_95 : memref<10240x128xf32, #tpu.memory_space<vmem_shared>>) offsets(%dma_start3A_92 : memref<128xi32, #tpu.memory_space<vmem>>) semaphore(%run_scoped3A : memref<!tpu.dma_semaphore, #tpu.memory_space<semaphore_mem>>) {add = true}
          %dma_wait3A_96 = arith.constant 0 : i32
          %dma_wait3A_97 = tpu.memref_slice %arg9[%add3A_78, %dma_wait3A_96] : memref<40x128xi32, #tpu.memory_space<vmem>> -> memref<1x128xi32, #tpu.memory_space<vmem>>
          %dma_wait3A_98 = tpu.memref_squeeze %dma_wait3A_97 : memref<1x128xi32, #tpu.memory_space<vmem>> -> memref<128xi32, #tpu.memory_space<vmem>>
          %dma_wait3A_99 = arith.constant 0 : i32
          %dma_wait3A_100 = arith.constant 0 : i32
          %dma_wait3A_101 = tpu.memref_slice %arg12[%dma_wait3A_99, %dma_wait3A_100] : memref<10240x128xf32, #tpu.memory_space<vmem_shared>> -> memref<10240x128xf32, #tpu.memory_space<vmem_shared>>
          tpu.wait_indirect_dma semaphore(%run_scoped3A : memref<!tpu.dma_semaphore, #tpu.memory_space<semaphore_mem>>) src(%arg11 : memref<128x128xf32, #tpu.memory_space<vmem>>) dst(%dma_wait3A_101 : memref<10240x128xf32, #tpu.memory_space<vmem_shared>>)
          tpu.yield
        }) : () -> ()
      }
      %scan3A_47 = arith.constant 20 : i32
      "tpu.region"() ({
        %run_scoped3A = tpu.sem_alloc : memref<!tpu.dma_semaphore, #tpu.memory_space<semaphore_mem>>
        %dma_start3A_61 = arith.constant 40 : i32
        %dma_start3A_62 = arith.constant 0 : i32
        %dma_start3A_63 = tpu.memref_slice %arg2[%arg1, %dma_start3A_61, %dma_start3A_62] : memref<16x80x128xi32, #tpu.memory_space<hbm>> -> memref<1x40x128xi32, #tpu.memory_space<hbm>>
        %dma_start3A_64 = tpu.memref_squeeze %dma_start3A_63 : memref<1x40x128xi32, #tpu.memory_space<hbm>> -> memref<40x128xi32, #tpu.memory_space<hbm>>
        %dma_start3A_65 = arith.constant 40 : i32
        %dma_start3A_66 = arith.constant 0 : i32
        %dma_start3A_67 = tpu.memref_slice %arg2[%arg1, %dma_start3A_65, %dma_start3A_66] : memref<16x80x128xi32, #tpu.memory_space<hbm>> -> memref<1x40x128xi32, #tpu.memory_space<hbm>>
        %dma_start3A_68 = tpu.memref_squeeze %dma_start3A_67 : memref<1x40x128xi32, #tpu.memory_space<hbm>> -> memref<40x128xi32, #tpu.memory_space<hbm>>
        tpu.enqueue_dma source(%dma_start3A_68 : memref<40x128xi32, #tpu.memory_space<hbm>>) target(%arg8 : memref<40x128xi32, #tpu.memory_space<vmem>>) target_semaphore(%run_scoped3A : memref<!tpu.dma_semaphore, #tpu.memory_space<semaphore_mem>>)
        %dma_wait3A = arith.constant 40 : i32
        %dma_wait3A_69 = arith.constant 0 : i32
        %dma_wait3A_70 = tpu.memref_slice %arg2[%arg1, %dma_wait3A, %dma_wait3A_69] : memref<16x80x128xi32, #tpu.memory_space<hbm>> -> memref<1x40x128xi32, #tpu.memory_space<hbm>>
        %dma_wait3A_71 = tpu.memref_squeeze %dma_wait3A_70 : memref<1x40x128xi32, #tpu.memory_space<hbm>> -> memref<40x128xi32, #tpu.memory_space<hbm>>
        %dma_wait3A_72 = arith.constant 40 : i32
        %dma_wait3A_73 = arith.constant 0 : i32
        %dma_wait3A_74 = tpu.memref_slice %arg2[%arg1, %dma_wait3A_72, %dma_wait3A_73] : memref<16x80x128xi32, #tpu.memory_space<hbm>> -> memref<1x40x128xi32, #tpu.memory_space<hbm>>
        %dma_wait3A_75 = tpu.memref_squeeze %dma_wait3A_74 : memref<1x40x128xi32, #tpu.memory_space<hbm>> -> memref<40x128xi32, #tpu.memory_space<hbm>>
        tpu.wait_dma2 semaphore(%run_scoped3A : memref<!tpu.dma_semaphore, #tpu.memory_space<semaphore_mem>>) src(%dma_wait3A_75 : memref<40x128xi32, #tpu.memory_space<hbm>>) dst(%arg8 : memref<40x128xi32, #tpu.memory_space<vmem>>)
        tpu.yield
      }) : () -> ()
      "tpu.region"() ({
        %run_scoped3A = tpu.sem_alloc : memref<!tpu.dma_semaphore, #tpu.memory_space<semaphore_mem>>
        %dma_start3A_61 = arith.constant 40 : i32
        %dma_start3A_62 = arith.constant 0 : i32
        %dma_start3A_63 = tpu.memref_slice %arg3[%arg1, %dma_start3A_61, %dma_start3A_62] : memref<16x80x128xi32, #tpu.memory_space<hbm>> -> memref<1x40x128xi32, #tpu.memory_space<hbm>>
        %dma_start3A_64 = tpu.memref_squeeze %dma_start3A_63 : memref<1x40x128xi32, #tpu.memory_space<hbm>> -> memref<40x128xi32, #tpu.memory_space<hbm>>
        %dma_start3A_65 = arith.constant 40 : i32
        %dma_start3A_66 = arith.constant 0 : i32
        %dma_start3A_67 = tpu.memref_slice %arg3[%arg1, %dma_start3A_65, %dma_start3A_66] : memref<16x80x128xi32, #tpu.memory_space<hbm>> -> memref<1x40x128xi32, #tpu.memory_space<hbm>>
        %dma_start3A_68 = tpu.memref_squeeze %dma_start3A_67 : memref<1x40x128xi32, #tpu.memory_space<hbm>> -> memref<40x128xi32, #tpu.memory_space<hbm>>
        tpu.enqueue_dma source(%dma_start3A_68 : memref<40x128xi32, #tpu.memory_space<hbm>>) target(%arg9 : memref<40x128xi32, #tpu.memory_space<vmem>>) target_semaphore(%run_scoped3A : memref<!tpu.dma_semaphore, #tpu.memory_space<semaphore_mem>>)
        %dma_wait3A = arith.constant 40 : i32
        %dma_wait3A_69 = arith.constant 0 : i32
        %dma_wait3A_70 = tpu.memref_slice %arg3[%arg1, %dma_wait3A, %dma_wait3A_69] : memref<16x80x128xi32, #tpu.memory_space<hbm>> -> memref<1x40x128xi32, #tpu.memory_space<hbm>>
        %dma_wait3A_71 = tpu.memref_squeeze %dma_wait3A_70 : memref<1x40x128xi32, #tpu.memory_space<hbm>> -> memref<40x128xi32, #tpu.memory_space<hbm>>
        %dma_wait3A_72 = arith.constant 40 : i32
        %dma_wait3A_73 = arith.constant 0 : i32
        %dma_wait3A_74 = tpu.memref_slice %arg3[%arg1, %dma_wait3A_72, %dma_wait3A_73] : memref<16x80x128xi32, #tpu.memory_space<hbm>> -> memref<1x40x128xi32, #tpu.memory_space<hbm>>
        %dma_wait3A_75 = tpu.memref_squeeze %dma_wait3A_74 : memref<1x40x128xi32, #tpu.memory_space<hbm>> -> memref<40x128xi32, #tpu.memory_space<hbm>>
        tpu.wait_dma2 semaphore(%run_scoped3A : memref<!tpu.dma_semaphore, #tpu.memory_space<semaphore_mem>>) src(%dma_wait3A_75 : memref<40x128xi32, #tpu.memory_space<hbm>>) dst(%arg9 : memref<40x128xi32, #tpu.memory_space<vmem>>)
        tpu.yield
      }) : () -> ()
      %dma_start3A_48 = arith.constant 0 : i32
      %dma_start3A_49 = arith.constant 0 : i32
      %dma_start3A_50 = tpu.memref_slice %arg8[%dma_start3A_48, %dma_start3A_49] : memref<40x128xi32, #tpu.memory_space<vmem>> -> memref<1x128xi32, #tpu.memory_space<vmem>>
      %dma_start3A_51 = tpu.memref_squeeze %dma_start3A_50 : memref<1x128xi32, #tpu.memory_space<vmem>> -> memref<128xi32, #tpu.memory_space<vmem>>
      %dma_start3A_52 = arith.constant 0 : i32
      %dma_start3A_53 = arith.constant 0 : i32
      %dma_start3A_54 = tpu.memref_slice %arg6[%dma_start3A_52, %dma_start3A_53] : memref<10240x128xf32, #tpu.memory_space<hbm>> -> memref<10240x128xf32, #tpu.memory_space<hbm>>
      tpu.enqueue_indirect_dma source(%dma_start3A_54 : memref<10240x128xf32, #tpu.memory_space<hbm>>) target(%arg10 : memref<128x128xf32, #tpu.memory_space<vmem>>) offsets(%dma_start3A_51 : memref<128xi32, #tpu.memory_space<vmem>>) semaphore(%arg13 : memref<!tpu.dma_semaphore, #tpu.memory_space<semaphore_mem>>)
      %scan3A_55 = arith.constant 0 : i32
      %scan3A_56 = arith.constant 0 : i32
      %scan3A_57 = arith.constant 20 : i32
      %scan3A_58 = arith.addi %scan3A_56, %scan3A_57 : i32
      %scan3A_59 = arith.constant 1 : i32
      scf.for %scan3A_61 = %scan3A_56 to %scan3A_58 step %scan3A_59  : i32 {
        %mul3A_62 = arith.constant 2 : i32
        %mul3A_63 = arith.muli %scan3A_61, %mul3A_62 : i32
        %add3A_64 = arith.constant 0 : i32
        %add3A_65 = arith.addi %mul3A_63, %add3A_64 : i32
        %dma_wait3A = arith.constant 0 : i32
        %dma_wait3A_66 = tpu.memref_slice %arg8[%add3A_65, %dma_wait3A] : memref<40x128xi32, #tpu.memory_space<vmem>> -> memref<1x128xi32, #tpu.memory_space<vmem>>
        %dma_wait3A_67 = tpu.memref_squeeze %dma_wait3A_66 : memref<1x128xi32, #tpu.memory_space<vmem>> -> memref<128xi32, #tpu.memory_space<vmem>>
        %dma_wait3A_68 = arith.constant 0 : i32
        %dma_wait3A_69 = arith.constant 0 : i32
        %dma_wait3A_70 = tpu.memref_slice %arg6[%dma_wait3A_68, %dma_wait3A_69] : memref<10240x128xf32, #tpu.memory_space<hbm>> -> memref<10240x128xf32, #tpu.memory_space<hbm>>
        tpu.wait_indirect_dma semaphore(%arg13 : memref<!tpu.dma_semaphore, #tpu.memory_space<semaphore_mem>>) src(%dma_wait3A_70 : memref<10240x128xf32, #tpu.memory_space<hbm>>) dst(%arg10 : memref<128x128xf32, #tpu.memory_space<vmem>>)
        %lt3A = arith.constant 39 : i32
        %lt3A_71 = arith.cmpi slt, %add3A_65, %lt3A : i32
        %convert_element_type3A_72 = arith.extui %lt3A_71 : i1 to i32
        %cond3A_73 = arith.constant 0 : i32
        %cond3A_74 = arith.cmpi ne, %convert_element_type3A_72, %cond3A_73 : i32
        scf.if %cond3A_74 {
          %add3A_90 = arith.constant 1 : i32
          %add3A_91 = arith.addi %add3A_65, %add3A_90 : i32
          %dma_start3A_92 = arith.constant 0 : i32
          %dma_start3A_93 = tpu.memref_slice %arg8[%add3A_91, %dma_start3A_92] : memref<40x128xi32, #tpu.memory_space<vmem>> -> memref<1x128xi32, #tpu.memory_space<vmem>>
          %dma_start3A_94 = tpu.memref_squeeze %dma_start3A_93 : memref<1x128xi32, #tpu.memory_space<vmem>> -> memref<128xi32, #tpu.memory_space<vmem>>
          %dma_start3A_95 = arith.constant 0 : i32
          %dma_start3A_96 = arith.constant 0 : i32
          %dma_start3A_97 = tpu.memref_slice %arg6[%dma_start3A_95, %dma_start3A_96] : memref<10240x128xf32, #tpu.memory_space<hbm>> -> memref<10240x128xf32, #tpu.memory_space<hbm>>
          tpu.enqueue_indirect_dma source(%dma_start3A_97 : memref<10240x128xf32, #tpu.memory_space<hbm>>) target(%arg11 : memref<128x128xf32, #tpu.memory_space<vmem>>) offsets(%dma_start3A_94 : memref<128xi32, #tpu.memory_space<vmem>>) semaphore(%arg14 : memref<!tpu.dma_semaphore, #tpu.memory_space<semaphore_mem>>)
        } else {
        }
        "tpu.region"() ({
          %run_scoped3A = tpu.sem_alloc : memref<!tpu.dma_semaphore, #tpu.memory_space<semaphore_mem>>
          %dma_start3A_90 = arith.constant 0 : i32
          %dma_start3A_91 = tpu.memref_slice %arg9[%add3A_65, %dma_start3A_90] : memref<40x128xi32, #tpu.memory_space<vmem>> -> memref<1x128xi32, #tpu.memory_space<vmem>>
          %dma_start3A_92 = tpu.memref_squeeze %dma_start3A_91 : memref<1x128xi32, #tpu.memory_space<vmem>> -> memref<128xi32, #tpu.memory_space<vmem>>
          %dma_start3A_93 = arith.constant 0 : i32
          %dma_start3A_94 = arith.constant 0 : i32
          %dma_start3A_95 = tpu.memref_slice %arg12[%dma_start3A_93, %dma_start3A_94] : memref<10240x128xf32, #tpu.memory_space<vmem_shared>> -> memref<10240x128xf32, #tpu.memory_space<vmem_shared>>
          tpu.enqueue_indirect_dma source(%arg10 : memref<128x128xf32, #tpu.memory_space<vmem>>) target(%dma_start3A_95 : memref<10240x128xf32, #tpu.memory_space<vmem_shared>>) offsets(%dma_start3A_92 : memref<128xi32, #tpu.memory_space<vmem>>) semaphore(%run_scoped3A : memref<!tpu.dma_semaphore, #tpu.memory_space<semaphore_mem>>) {add = true}
          %dma_wait3A_96 = arith.constant 0 : i32
          %dma_wait3A_97 = tpu.memref_slice %arg9[%add3A_65, %dma_wait3A_96] : memref<40x128xi32, #tpu.memory_space<vmem>> -> memref<1x128xi32, #tpu.memory_space<vmem>>
          %dma_wait3A_98 = tpu.memref_squeeze %dma_wait3A_97 : memref<1x128xi32, #tpu.memory_space<vmem>> -> memref<128xi32, #tpu.memory_space<vmem>>
          %dma_wait3A_99 = arith.constant 0 : i32
          %dma_wait3A_100 = arith.constant 0 : i32
          %dma_wait3A_101 = tpu.memref_slice %arg12[%dma_wait3A_99, %dma_wait3A_100] : memref<10240x128xf32, #tpu.memory_space<vmem_shared>> -> memref<10240x128xf32, #tpu.memory_space<vmem_shared>>
          tpu.wait_indirect_dma semaphore(%run_scoped3A : memref<!tpu.dma_semaphore, #tpu.memory_space<semaphore_mem>>) src(%arg10 : memref<128x128xf32, #tpu.memory_space<vmem>>) dst(%dma_wait3A_101 : memref<10240x128xf32, #tpu.memory_space<vmem_shared>>)
          tpu.yield
        }) : () -> ()
        %mul3A_75 = arith.constant 2 : i32
        %mul3A_76 = arith.muli %scan3A_61, %mul3A_75 : i32
        %add3A_77 = arith.constant 1 : i32
        %add3A_78 = arith.addi %mul3A_76, %add3A_77 : i32
        %dma_wait3A_79 = arith.constant 0 : i32
        %dma_wait3A_80 = tpu.memref_slice %arg8[%add3A_78, %dma_wait3A_79] : memref<40x128xi32, #tpu.memory_space<vmem>> -> memref<1x128xi32, #tpu.memory_space<vmem>>
        %dma_wait3A_81 = tpu.memref_squeeze %dma_wait3A_80 : memref<1x128xi32, #tpu.memory_space<vmem>> -> memref<128xi32, #tpu.memory_space<vmem>>
        %dma_wait3A_82 = arith.constant 0 : i32
        %dma_wait3A_83 = arith.constant 0 : i32
        %dma_wait3A_84 = tpu.memref_slice %arg6[%dma_wait3A_82, %dma_wait3A_83] : memref<10240x128xf32, #tpu.memory_space<hbm>> -> memref<10240x128xf32, #tpu.memory_space<hbm>>
        tpu.wait_indirect_dma semaphore(%arg14 : memref<!tpu.dma_semaphore, #tpu.memory_space<semaphore_mem>>) src(%dma_wait3A_84 : memref<10240x128xf32, #tpu.memory_space<hbm>>) dst(%arg11 : memref<128x128xf32, #tpu.memory_space<vmem>>)
        %lt3A_85 = arith.constant 39 : i32
        %lt3A_86 = arith.cmpi slt, %add3A_78, %lt3A_85 : i32
        %convert_element_type3A_87 = arith.extui %lt3A_86 : i1 to i32
        %cond3A_88 = arith.constant 0 : i32
        %cond3A_89 = arith.cmpi ne, %convert_element_type3A_87, %cond3A_88 : i32
        scf.if %cond3A_89 {
          %add3A_90 = arith.constant 1 : i32
          %add3A_91 = arith.addi %add3A_78, %add3A_90 : i32
          %dma_start3A_92 = arith.constant 0 : i32
          %dma_start3A_93 = tpu.memref_slice %arg8[%add3A_91, %dma_start3A_92] : memref<40x128xi32, #tpu.memory_space<vmem>> -> memref<1x128xi32, #tpu.memory_space<vmem>>
          %dma_start3A_94 = tpu.memref_squeeze %dma_start3A_93 : memref<1x128xi32, #tpu.memory_space<vmem>> -> memref<128xi32, #tpu.memory_space<vmem>>
          %dma_start3A_95 = arith.constant 0 : i32
          %dma_start3A_96 = arith.constant 0 : i32
          %dma_start3A_97 = tpu.memref_slice %arg6[%dma_start3A_95, %dma_start3A_96] : memref<10240x128xf32, #tpu.memory_space<hbm>> -> memref<10240x128xf32, #tpu.memory_space<hbm>>
          tpu.enqueue_indirect_dma source(%dma_start3A_97 : memref<10240x128xf32, #tpu.memory_space<hbm>>) target(%arg10 : memref<128x128xf32, #tpu.memory_space<vmem>>) offsets(%dma_start3A_94 : memref<128xi32, #tpu.memory_space<vmem>>) semaphore(%arg13 : memref<!tpu.dma_semaphore, #tpu.memory_space<semaphore_mem>>)
        } else {
        }
        "tpu.region"() ({
          %run_scoped3A = tpu.sem_alloc : memref<!tpu.dma_semaphore, #tpu.memory_space<semaphore_mem>>
          %dma_start3A_90 = arith.constant 0 : i32
          %dma_start3A_91 = tpu.memref_slice %arg9[%add3A_78, %dma_start3A_90] : memref<40x128xi32, #tpu.memory_space<vmem>> -> memref<1x128xi32, #tpu.memory_space<vmem>>
          %dma_start3A_92 = tpu.memref_squeeze %dma_start3A_91 : memref<1x128xi32, #tpu.memory_space<vmem>> -> memref<128xi32, #tpu.memory_space<vmem>>
          %dma_start3A_93 = arith.constant 0 : i32
          %dma_start3A_94 = arith.constant 0 : i32
          %dma_start3A_95 = tpu.memref_slice %arg12[%dma_start3A_93, %dma_start3A_94] : memref<10240x128xf32, #tpu.memory_space<vmem_shared>> -> memref<10240x128xf32, #tpu.memory_space<vmem_shared>>
          tpu.enqueue_indirect_dma source(%arg11 : memref<128x128xf32, #tpu.memory_space<vmem>>) target(%dma_start3A_95 : memref<10240x128xf32, #tpu.memory_space<vmem_shared>>) offsets(%dma_start3A_92 : memref<128xi32, #tpu.memory_space<vmem>>) semaphore(%run_scoped3A : memref<!tpu.dma_semaphore, #tpu.memory_space<semaphore_mem>>) {add = true}
          %dma_wait3A_96 = arith.constant 0 : i32
          %dma_wait3A_97 = tpu.memref_slice %arg9[%add3A_78, %dma_wait3A_96] : memref<40x128xi32, #tpu.memory_space<vmem>> -> memref<1x128xi32, #tpu.memory_space<vmem>>
          %dma_wait3A_98 = tpu.memref_squeeze %dma_wait3A_97 : memref<1x128xi32, #tpu.memory_space<vmem>> -> memref<128xi32, #tpu.memory_space<vmem>>
          %dma_wait3A_99 = arith.constant 0 : i32
          %dma_wait3A_100 = arith.constant 0 : i32
          %dma_wait3A_101 = tpu.memref_slice %arg12[%dma_wait3A_99, %dma_wait3A_100] : memref<10240x128xf32, #tpu.memory_space<vmem_shared>> -> memref<10240x128xf32, #tpu.memory_space<vmem_shared>>
          tpu.wait_indirect_dma semaphore(%run_scoped3A : memref<!tpu.dma_semaphore, #tpu.memory_space<semaphore_mem>>) src(%arg11 : memref<128x128xf32, #tpu.memory_space<vmem>>) dst(%dma_wait3A_101 : memref<10240x128xf32, #tpu.memory_space<vmem_shared>>)
          tpu.yield
        }) : () -> ()
      }
      %scan3A_60 = arith.constant 20 : i32
    } else {
    }
    %eq3A_26 = arith.constant 1 : i32
    %eq3A_27 = arith.cmpi eq, %arg0, %eq3A_26 : i32
    %convert_element_type3A_28 = arith.extui %eq3A_27 : i1 to i32
    %cond3A_29 = arith.constant 0 : i32
    %cond3A_30 = arith.cmpi ne, %convert_element_type3A_28, %cond3A_29 : i32
    scf.if %cond3A_30 {
      "tpu.region"() ({
        %run_scoped3A = tpu.sem_alloc : memref<!tpu.dma_semaphore, #tpu.memory_space<semaphore_mem>>
        %dma_start3A_61 = arith.constant 0 : i32
        %dma_start3A_62 = arith.constant 0 : i32
        %dma_start3A_63 = tpu.memref_slice %arg4[%arg1, %dma_start3A_61, %dma_start3A_62] : memref<16x80x128xi32, #tpu.memory_space<hbm>> -> memref<1x40x128xi32, #tpu.memory_space<hbm>>
        %dma_start3A_64 = tpu.memref_squeeze %dma_start3A_63 : memref<1x40x128xi32, #tpu.memory_space<hbm>> -> memref<40x128xi32, #tpu.memory_space<hbm>>
        %dma_start3A_65 = arith.constant 0 : i32
        %dma_start3A_66 = arith.constant 0 : i32
        %dma_start3A_67 = tpu.memref_slice %arg4[%arg1, %dma_start3A_65, %dma_start3A_66] : memref<16x80x128xi32, #tpu.memory_space<hbm>> -> memref<1x40x128xi32, #tpu.memory_space<hbm>>
        %dma_start3A_68 = tpu.memref_squeeze %dma_start3A_67 : memref<1x40x128xi32, #tpu.memory_space<hbm>> -> memref<40x128xi32, #tpu.memory_space<hbm>>
        tpu.enqueue_dma source(%dma_start3A_68 : memref<40x128xi32, #tpu.memory_space<hbm>>) target(%arg8 : memref<40x128xi32, #tpu.memory_space<vmem>>) target_semaphore(%run_scoped3A : memref<!tpu.dma_semaphore, #tpu.memory_space<semaphore_mem>>)
        %dma_wait3A = arith.constant 0 : i32
        %dma_wait3A_69 = arith.constant 0 : i32
        %dma_wait3A_70 = tpu.memref_slice %arg4[%arg1, %dma_wait3A, %dma_wait3A_69] : memref<16x80x128xi32, #tpu.memory_space<hbm>> -> memref<1x40x128xi32, #tpu.memory_space<hbm>>
        %dma_wait3A_71 = tpu.memref_squeeze %dma_wait3A_70 : memref<1x40x128xi32, #tpu.memory_space<hbm>> -> memref<40x128xi32, #tpu.memory_space<hbm>>
        %dma_wait3A_72 = arith.constant 0 : i32
        %dma_wait3A_73 = arith.constant 0 : i32
        %dma_wait3A_74 = tpu.memref_slice %arg4[%arg1, %dma_wait3A_72, %dma_wait3A_73] : memref<16x80x128xi32, #tpu.memory_space<hbm>> -> memref<1x40x128xi32, #tpu.memory_space<hbm>>
        %dma_wait3A_75 = tpu.memref_squeeze %dma_wait3A_74 : memref<1x40x128xi32, #tpu.memory_space<hbm>> -> memref<40x128xi32, #tpu.memory_space<hbm>>
        tpu.wait_dma2 semaphore(%run_scoped3A : memref<!tpu.dma_semaphore, #tpu.memory_space<semaphore_mem>>) src(%dma_wait3A_75 : memref<40x128xi32, #tpu.memory_space<hbm>>) dst(%arg8 : memref<40x128xi32, #tpu.memory_space<vmem>>)
        tpu.yield
      }) : () -> ()
      "tpu.region"() ({
        %run_scoped3A = tpu.sem_alloc : memref<!tpu.dma_semaphore, #tpu.memory_space<semaphore_mem>>
        %dma_start3A_61 = arith.constant 0 : i32
        %dma_start3A_62 = arith.constant 0 : i32
        %dma_start3A_63 = tpu.memref_slice %arg5[%arg1, %dma_start3A_61, %dma_start3A_62] : memref<16x80x128xi32, #tpu.memory_space<hbm>> -> memref<1x40x128xi32, #tpu.memory_space<hbm>>
        %dma_start3A_64 = tpu.memref_squeeze %dma_start3A_63 : memref<1x40x128xi32, #tpu.memory_space<hbm>> -> memref<40x128xi32, #tpu.memory_space<hbm>>
        %dma_start3A_65 = arith.constant 0 : i32
        %dma_start3A_66 = arith.constant 0 : i32
        %dma_start3A_67 = tpu.memref_slice %arg5[%arg1, %dma_start3A_65, %dma_start3A_66] : memref<16x80x128xi32, #tpu.memory_space<hbm>> -> memref<1x40x128xi32, #tpu.memory_space<hbm>>
        %dma_start3A_68 = tpu.memref_squeeze %dma_start3A_67 : memref<1x40x128xi32, #tpu.memory_space<hbm>> -> memref<40x128xi32, #tpu.memory_space<hbm>>
        tpu.enqueue_dma source(%dma_start3A_68 : memref<40x128xi32, #tpu.memory_space<hbm>>) target(%arg9 : memref<40x128xi32, #tpu.memory_space<vmem>>) target_semaphore(%run_scoped3A : memref<!tpu.dma_semaphore, #tpu.memory_space<semaphore_mem>>)
        %dma_wait3A = arith.constant 0 : i32
        %dma_wait3A_69 = arith.constant 0 : i32
        %dma_wait3A_70 = tpu.memref_slice %arg5[%arg1, %dma_wait3A, %dma_wait3A_69] : memref<16x80x128xi32, #tpu.memory_space<hbm>> -> memref<1x40x128xi32, #tpu.memory_space<hbm>>
        %dma_wait3A_71 = tpu.memref_squeeze %dma_wait3A_70 : memref<1x40x128xi32, #tpu.memory_space<hbm>> -> memref<40x128xi32, #tpu.memory_space<hbm>>
        %dma_wait3A_72 = arith.constant 0 : i32
        %dma_wait3A_73 = arith.constant 0 : i32
        %dma_wait3A_74 = tpu.memref_slice %arg5[%arg1, %dma_wait3A_72, %dma_wait3A_73] : memref<16x80x128xi32, #tpu.memory_space<hbm>> -> memref<1x40x128xi32, #tpu.memory_space<hbm>>
        %dma_wait3A_75 = tpu.memref_squeeze %dma_wait3A_74 : memref<1x40x128xi32, #tpu.memory_space<hbm>> -> memref<40x128xi32, #tpu.memory_space<hbm>>
        tpu.wait_dma2 semaphore(%run_scoped3A : memref<!tpu.dma_semaphore, #tpu.memory_space<semaphore_mem>>) src(%dma_wait3A_75 : memref<40x128xi32, #tpu.memory_space<hbm>>) dst(%arg9 : memref<40x128xi32, #tpu.memory_space<vmem>>)
        tpu.yield
      }) : () -> ()
      %dma_start3A = arith.constant 0 : i32
      %dma_start3A_36 = arith.constant 0 : i32
      %dma_start3A_37 = tpu.memref_slice %arg8[%dma_start3A, %dma_start3A_36] : memref<40x128xi32, #tpu.memory_space<vmem>> -> memref<1x128xi32, #tpu.memory_space<vmem>>
      %dma_start3A_38 = tpu.memref_squeeze %dma_start3A_37 : memref<1x128xi32, #tpu.memory_space<vmem>> -> memref<128xi32, #tpu.memory_space<vmem>>
      %dma_start3A_39 = arith.constant 0 : i32
      %dma_start3A_40 = arith.constant 0 : i32
      %dma_start3A_41 = tpu.memref_slice %arg6[%dma_start3A_39, %dma_start3A_40] : memref<10240x128xf32, #tpu.memory_space<hbm>> -> memref<10240x128xf32, #tpu.memory_space<hbm>>
      tpu.enqueue_indirect_dma source(%dma_start3A_41 : memref<10240x128xf32, #tpu.memory_space<hbm>>) target(%arg10 : memref<128x128xf32, #tpu.memory_space<vmem>>) offsets(%dma_start3A_38 : memref<128xi32, #tpu.memory_space<vmem>>) semaphore(%arg13 : memref<!tpu.dma_semaphore, #tpu.memory_space<semaphore_mem>>)
      %scan3A_42 = arith.constant 0 : i32
      %scan3A_43 = arith.constant 0 : i32
      %scan3A_44 = arith.constant 20 : i32
      %scan3A_45 = arith.addi %scan3A_43, %scan3A_44 : i32
      %scan3A_46 = arith.constant 1 : i32
      scf.for %scan3A_61 = %scan3A_43 to %scan3A_45 step %scan3A_46  : i32 {
        %mul3A_62 = arith.constant 2 : i32
        %mul3A_63 = arith.muli %scan3A_61, %mul3A_62 : i32
        %add3A_64 = arith.constant 0 : i32
        %add3A_65 = arith.addi %mul3A_63, %add3A_64 : i32
        %dma_wait3A = arith.constant 0 : i32
        %dma_wait3A_66 = tpu.memref_slice %arg8[%add3A_65, %dma_wait3A] : memref<40x128xi32, #tpu.memory_space<vmem>> -> memref<1x128xi32, #tpu.memory_space<vmem>>
        %dma_wait3A_67 = tpu.memref_squeeze %dma_wait3A_66 : memref<1x128xi32, #tpu.memory_space<vmem>> -> memref<128xi32, #tpu.memory_space<vmem>>
        %dma_wait3A_68 = arith.constant 0 : i32
        %dma_wait3A_69 = arith.constant 0 : i32
        %dma_wait3A_70 = tpu.memref_slice %arg6[%dma_wait3A_68, %dma_wait3A_69] : memref<10240x128xf32, #tpu.memory_space<hbm>> -> memref<10240x128xf32, #tpu.memory_space<hbm>>
        tpu.wait_indirect_dma semaphore(%arg13 : memref<!tpu.dma_semaphore, #tpu.memory_space<semaphore_mem>>) src(%dma_wait3A_70 : memref<10240x128xf32, #tpu.memory_space<hbm>>) dst(%arg10 : memref<128x128xf32, #tpu.memory_space<vmem>>)
        %lt3A = arith.constant 39 : i32
        %lt3A_71 = arith.cmpi slt, %add3A_65, %lt3A : i32
        %convert_element_type3A_72 = arith.extui %lt3A_71 : i1 to i32
        %cond3A_73 = arith.constant 0 : i32
        %cond3A_74 = arith.cmpi ne, %convert_element_type3A_72, %cond3A_73 : i32
        scf.if %cond3A_74 {
          %add3A_90 = arith.constant 1 : i32
          %add3A_91 = arith.addi %add3A_65, %add3A_90 : i32
          %dma_start3A_92 = arith.constant 0 : i32
          %dma_start3A_93 = tpu.memref_slice %arg8[%add3A_91, %dma_start3A_92] : memref<40x128xi32, #tpu.memory_space<vmem>> -> memref<1x128xi32, #tpu.memory_space<vmem>>
          %dma_start3A_94 = tpu.memref_squeeze %dma_start3A_93 : memref<1x128xi32, #tpu.memory_space<vmem>> -> memref<128xi32, #tpu.memory_space<vmem>>
          %dma_start3A_95 = arith.constant 0 : i32
          %dma_start3A_96 = arith.constant 0 : i32
          %dma_start3A_97 = tpu.memref_slice %arg6[%dma_start3A_95, %dma_start3A_96] : memref<10240x128xf32, #tpu.memory_space<hbm>> -> memref<10240x128xf32, #tpu.memory_space<hbm>>
          tpu.enqueue_indirect_dma source(%dma_start3A_97 : memref<10240x128xf32, #tpu.memory_space<hbm>>) target(%arg11 : memref<128x128xf32, #tpu.memory_space<vmem>>) offsets(%dma_start3A_94 : memref<128xi32, #tpu.memory_space<vmem>>) semaphore(%arg14 : memref<!tpu.dma_semaphore, #tpu.memory_space<semaphore_mem>>)
        } else {
        }
        "tpu.region"() ({
          %run_scoped3A = tpu.sem_alloc : memref<!tpu.dma_semaphore, #tpu.memory_space<semaphore_mem>>
          %dma_start3A_90 = arith.constant 0 : i32
          %dma_start3A_91 = tpu.memref_slice %arg9[%add3A_65, %dma_start3A_90] : memref<40x128xi32, #tpu.memory_space<vmem>> -> memref<1x128xi32, #tpu.memory_space<vmem>>
          %dma_start3A_92 = tpu.memref_squeeze %dma_start3A_91 : memref<1x128xi32, #tpu.memory_space<vmem>> -> memref<128xi32, #tpu.memory_space<vmem>>
          %dma_start3A_93 = arith.constant 0 : i32
          %dma_start3A_94 = arith.constant 0 : i32
          %dma_start3A_95 = tpu.memref_slice %arg12[%dma_start3A_93, %dma_start3A_94] : memref<10240x128xf32, #tpu.memory_space<vmem_shared>> -> memref<10240x128xf32, #tpu.memory_space<vmem_shared>>
          tpu.enqueue_indirect_dma source(%arg10 : memref<128x128xf32, #tpu.memory_space<vmem>>) target(%dma_start3A_95 : memref<10240x128xf32, #tpu.memory_space<vmem_shared>>) offsets(%dma_start3A_92 : memref<128xi32, #tpu.memory_space<vmem>>) semaphore(%run_scoped3A : memref<!tpu.dma_semaphore, #tpu.memory_space<semaphore_mem>>) {add = true}
          %dma_wait3A_96 = arith.constant 0 : i32
          %dma_wait3A_97 = tpu.memref_slice %arg9[%add3A_65, %dma_wait3A_96] : memref<40x128xi32, #tpu.memory_space<vmem>> -> memref<1x128xi32, #tpu.memory_space<vmem>>
          %dma_wait3A_98 = tpu.memref_squeeze %dma_wait3A_97 : memref<1x128xi32, #tpu.memory_space<vmem>> -> memref<128xi32, #tpu.memory_space<vmem>>
          %dma_wait3A_99 = arith.constant 0 : i32
          %dma_wait3A_100 = arith.constant 0 : i32
          %dma_wait3A_101 = tpu.memref_slice %arg12[%dma_wait3A_99, %dma_wait3A_100] : memref<10240x128xf32, #tpu.memory_space<vmem_shared>> -> memref<10240x128xf32, #tpu.memory_space<vmem_shared>>
          tpu.wait_indirect_dma semaphore(%run_scoped3A : memref<!tpu.dma_semaphore, #tpu.memory_space<semaphore_mem>>) src(%arg10 : memref<128x128xf32, #tpu.memory_space<vmem>>) dst(%dma_wait3A_101 : memref<10240x128xf32, #tpu.memory_space<vmem_shared>>)
          tpu.yield
        }) : () -> ()
        %mul3A_75 = arith.constant 2 : i32
        %mul3A_76 = arith.muli %scan3A_61, %mul3A_75 : i32
        %add3A_77 = arith.constant 1 : i32
        %add3A_78 = arith.addi %mul3A_76, %add3A_77 : i32
        %dma_wait3A_79 = arith.constant 0 : i32
        %dma_wait3A_80 = tpu.memref_slice %arg8[%add3A_78, %dma_wait3A_79] : memref<40x128xi32, #tpu.memory_space<vmem>> -> memref<1x128xi32, #tpu.memory_space<vmem>>
        %dma_wait3A_81 = tpu.memref_squeeze %dma_wait3A_80 : memref<1x128xi32, #tpu.memory_space<vmem>> -> memref<128xi32, #tpu.memory_space<vmem>>
        %dma_wait3A_82 = arith.constant 0 : i32
        %dma_wait3A_83 = arith.constant 0 : i32
        %dma_wait3A_84 = tpu.memref_slice %arg6[%dma_wait3A_82, %dma_wait3A_83] : memref<10240x128xf32, #tpu.memory_space<hbm>> -> memref<10240x128xf32, #tpu.memory_space<hbm>>
        tpu.wait_indirect_dma semaphore(%arg14 : memref<!tpu.dma_semaphore, #tpu.memory_space<semaphore_mem>>) src(%dma_wait3A_84 : memref<10240x128xf32, #tpu.memory_space<hbm>>) dst(%arg11 : memref<128x128xf32, #tpu.memory_space<vmem>>)
        %lt3A_85 = arith.constant 39 : i32
        %lt3A_86 = arith.cmpi slt, %add3A_78, %lt3A_85 : i32
        %convert_element_type3A_87 = arith.extui %lt3A_86 : i1 to i32
        %cond3A_88 = arith.constant 0 : i32
        %cond3A_89 = arith.cmpi ne, %convert_element_type3A_87, %cond3A_88 : i32
        scf.if %cond3A_89 {
          %add3A_90 = arith.constant 1 : i32
          %add3A_91 = arith.addi %add3A_78, %add3A_90 : i32
          %dma_start3A_92 = arith.constant 0 : i32
          %dma_start3A_93 = tpu.memref_slice %arg8[%add3A_91, %dma_start3A_92] : memref<40x128xi32, #tpu.memory_space<vmem>> -> memref<1x128xi32, #tpu.memory_space<vmem>>
          %dma_start3A_94 = tpu.memref_squeeze %dma_start3A_93 : memref<1x128xi32, #tpu.memory_space<vmem>> -> memref<128xi32, #tpu.memory_space<vmem>>
          %dma_start3A_95 = arith.constant 0 : i32
          %dma_start3A_96 = arith.constant 0 : i32
          %dma_start3A_97 = tpu.memref_slice %arg6[%dma_start3A_95, %dma_start3A_96] : memref<10240x128xf32, #tpu.memory_space<hbm>> -> memref<10240x128xf32, #tpu.memory_space<hbm>>
          tpu.enqueue_indirect_dma source(%dma_start3A_97 : memref<10240x128xf32, #tpu.memory_space<hbm>>) target(%arg10 : memref<128x128xf32, #tpu.memory_space<vmem>>) offsets(%dma_start3A_94 : memref<128xi32, #tpu.memory_space<vmem>>) semaphore(%arg13 : memref<!tpu.dma_semaphore, #tpu.memory_space<semaphore_mem>>)
        } else {
        }
        "tpu.region"() ({
          %run_scoped3A = tpu.sem_alloc : memref<!tpu.dma_semaphore, #tpu.memory_space<semaphore_mem>>
          %dma_start3A_90 = arith.constant 0 : i32
          %dma_start3A_91 = tpu.memref_slice %arg9[%add3A_78, %dma_start3A_90] : memref<40x128xi32, #tpu.memory_space<vmem>> -> memref<1x128xi32, #tpu.memory_space<vmem>>
          %dma_start3A_92 = tpu.memref_squeeze %dma_start3A_91 : memref<1x128xi32, #tpu.memory_space<vmem>> -> memref<128xi32, #tpu.memory_space<vmem>>
          %dma_start3A_93 = arith.constant 0 : i32
          %dma_start3A_94 = arith.constant 0 : i32
          %dma_start3A_95 = tpu.memref_slice %arg12[%dma_start3A_93, %dma_start3A_94] : memref<10240x128xf32, #tpu.memory_space<vmem_shared>> -> memref<10240x128xf32, #tpu.memory_space<vmem_shared>>
          tpu.enqueue_indirect_dma source(%arg11 : memref<128x128xf32, #tpu.memory_space<vmem>>) target(%dma_start3A_95 : memref<10240x128xf32, #tpu.memory_space<vmem_shared>>) offsets(%dma_start3A_92 : memref<128xi32, #tpu.memory_space<vmem>>) semaphore(%run_scoped3A : memref<!tpu.dma_semaphore, #tpu.memory_space<semaphore_mem>>) {add = true}
          %dma_wait3A_96 = arith.constant 0 : i32
          %dma_wait3A_97 = tpu.memref_slice %arg9[%add3A_78, %dma_wait3A_96] : memref<40x128xi32, #tpu.memory_space<vmem>> -> memref<1x128xi32, #tpu.memory_space<vmem>>
          %dma_wait3A_98 = tpu.memref_squeeze %dma_wait3A_97 : memref<1x128xi32, #tpu.memory_space<vmem>> -> memref<128xi32, #tpu.memory_space<vmem>>
          %dma_wait3A_99 = arith.constant 0 : i32
          %dma_wait3A_100 = arith.constant 0 : i32
          %dma_wait3A_101 = tpu.memref_slice %arg12[%dma_wait3A_99, %dma_wait3A_100] : memref<10240x128xf32, #tpu.memory_space<vmem_shared>> -> memref<10240x128xf32, #tpu.memory_space<vmem_shared>>
          tpu.wait_indirect_dma semaphore(%run_scoped3A : memref<!tpu.dma_semaphore, #tpu.memory_space<semaphore_mem>>) src(%arg11 : memref<128x128xf32, #tpu.memory_space<vmem>>) dst(%dma_wait3A_101 : memref<10240x128xf32, #tpu.memory_space<vmem_shared>>)
          tpu.yield
        }) : () -> ()
      }
      %scan3A_47 = arith.constant 20 : i32
      "tpu.region"() ({
        %run_scoped3A = tpu.sem_alloc : memref<!tpu.dma_semaphore, #tpu.memory_space<semaphore_mem>>
        %dma_start3A_61 = arith.constant 40 : i32
        %dma_start3A_62 = arith.constant 0 : i32
        %dma_start3A_63 = tpu.memref_slice %arg4[%arg1, %dma_start3A_61, %dma_start3A_62] : memref<16x80x128xi32, #tpu.memory_space<hbm>> -> memref<1x40x128xi32, #tpu.memory_space<hbm>>
        %dma_start3A_64 = tpu.memref_squeeze %dma_start3A_63 : memref<1x40x128xi32, #tpu.memory_space<hbm>> -> memref<40x128xi32, #tpu.memory_space<hbm>>
        %dma_start3A_65 = arith.constant 40 : i32
        %dma_start3A_66 = arith.constant 0 : i32
        %dma_start3A_67 = tpu.memref_slice %arg4[%arg1, %dma_start3A_65, %dma_start3A_66] : memref<16x80x128xi32, #tpu.memory_space<hbm>> -> memref<1x40x128xi32, #tpu.memory_space<hbm>>
        %dma_start3A_68 = tpu.memref_squeeze %dma_start3A_67 : memref<1x40x128xi32, #tpu.memory_space<hbm>> -> memref<40x128xi32, #tpu.memory_space<hbm>>
        tpu.enqueue_dma source(%dma_start3A_68 : memref<40x128xi32, #tpu.memory_space<hbm>>) target(%arg8 : memref<40x128xi32, #tpu.memory_space<vmem>>) target_semaphore(%run_scoped3A : memref<!tpu.dma_semaphore, #tpu.memory_space<semaphore_mem>>)
        %dma_wait3A = arith.constant 40 : i32
        %dma_wait3A_69 = arith.constant 0 : i32
        %dma_wait3A_70 = tpu.memref_slice %arg4[%arg1, %dma_wait3A, %dma_wait3A_69] : memref<16x80x128xi32, #tpu.memory_space<hbm>> -> memref<1x40x128xi32, #tpu.memory_space<hbm>>
        %dma_wait3A_71 = tpu.memref_squeeze %dma_wait3A_70 : memref<1x40x128xi32, #tpu.memory_space<hbm>> -> memref<40x128xi32, #tpu.memory_space<hbm>>
        %dma_wait3A_72 = arith.constant 40 : i32
        %dma_wait3A_73 = arith.constant 0 : i32
        %dma_wait3A_74 = tpu.memref_slice %arg4[%arg1, %dma_wait3A_72, %dma_wait3A_73] : memref<16x80x128xi32, #tpu.memory_space<hbm>> -> memref<1x40x128xi32, #tpu.memory_space<hbm>>
        %dma_wait3A_75 = tpu.memref_squeeze %dma_wait3A_74 : memref<1x40x128xi32, #tpu.memory_space<hbm>> -> memref<40x128xi32, #tpu.memory_space<hbm>>
        tpu.wait_dma2 semaphore(%run_scoped3A : memref<!tpu.dma_semaphore, #tpu.memory_space<semaphore_mem>>) src(%dma_wait3A_75 : memref<40x128xi32, #tpu.memory_space<hbm>>) dst(%arg8 : memref<40x128xi32, #tpu.memory_space<vmem>>)
        tpu.yield
      }) : () -> ()
      "tpu.region"() ({
        %run_scoped3A = tpu.sem_alloc : memref<!tpu.dma_semaphore, #tpu.memory_space<semaphore_mem>>
        %dma_start3A_61 = arith.constant 40 : i32
        %dma_start3A_62 = arith.constant 0 : i32
        %dma_start3A_63 = tpu.memref_slice %arg5[%arg1, %dma_start3A_61, %dma_start3A_62] : memref<16x80x128xi32, #tpu.memory_space<hbm>> -> memref<1x40x128xi32, #tpu.memory_space<hbm>>
        %dma_start3A_64 = tpu.memref_squeeze %dma_start3A_63 : memref<1x40x128xi32, #tpu.memory_space<hbm>> -> memref<40x128xi32, #tpu.memory_space<hbm>>
        %dma_start3A_65 = arith.constant 40 : i32
        %dma_start3A_66 = arith.constant 0 : i32
        %dma_start3A_67 = tpu.memref_slice %arg5[%arg1, %dma_start3A_65, %dma_start3A_66] : memref<16x80x128xi32, #tpu.memory_space<hbm>> -> memref<1x40x128xi32, #tpu.memory_space<hbm>>
        %dma_start3A_68 = tpu.memref_squeeze %dma_start3A_67 : memref<1x40x128xi32, #tpu.memory_space<hbm>> -> memref<40x128xi32, #tpu.memory_space<hbm>>
        tpu.enqueue_dma source(%dma_start3A_68 : memref<40x128xi32, #tpu.memory_space<hbm>>) target(%arg9 : memref<40x128xi32, #tpu.memory_space<vmem>>) target_semaphore(%run_scoped3A : memref<!tpu.dma_semaphore, #tpu.memory_space<semaphore_mem>>)
        %dma_wait3A = arith.constant 40 : i32
        %dma_wait3A_69 = arith.constant 0 : i32
        %dma_wait3A_70 = tpu.memref_slice %arg5[%arg1, %dma_wait3A, %dma_wait3A_69] : memref<16x80x128xi32, #tpu.memory_space<hbm>> -> memref<1x40x128xi32, #tpu.memory_space<hbm>>
        %dma_wait3A_71 = tpu.memref_squeeze %dma_wait3A_70 : memref<1x40x128xi32, #tpu.memory_space<hbm>> -> memref<40x128xi32, #tpu.memory_space<hbm>>
        %dma_wait3A_72 = arith.constant 40 : i32
        %dma_wait3A_73 = arith.constant 0 : i32
        %dma_wait3A_74 = tpu.memref_slice %arg5[%arg1, %dma_wait3A_72, %dma_wait3A_73] : memref<16x80x128xi32, #tpu.memory_space<hbm>> -> memref<1x40x128xi32, #tpu.memory_space<hbm>>
        %dma_wait3A_75 = tpu.memref_squeeze %dma_wait3A_74 : memref<1x40x128xi32, #tpu.memory_space<hbm>> -> memref<40x128xi32, #tpu.memory_space<hbm>>
        tpu.wait_dma2 semaphore(%run_scoped3A : memref<!tpu.dma_semaphore, #tpu.memory_space<semaphore_mem>>) src(%dma_wait3A_75 : memref<40x128xi32, #tpu.memory_space<hbm>>) dst(%arg9 : memref<40x128xi32, #tpu.memory_space<vmem>>)
        tpu.yield
      }) : () -> ()
      %dma_start3A_48 = arith.constant 0 : i32
      %dma_start3A_49 = arith.constant 0 : i32
      %dma_start3A_50 = tpu.memref_slice %arg8[%dma_start3A_48, %dma_start3A_49] : memref<40x128xi32, #tpu.memory_space<vmem>> -> memref<1x128xi32, #tpu.memory_space<vmem>>
      %dma_start3A_51 = tpu.memref_squeeze %dma_start3A_50 : memref<1x128xi32, #tpu.memory_space<vmem>> -> memref<128xi32, #tpu.memory_space<vmem>>
      %dma_start3A_52 = arith.constant 0 : i32
      %dma_start3A_53 = arith.constant 0 : i32
      %dma_start3A_54 = tpu.memref_slice %arg6[%dma_start3A_52, %dma_start3A_53] : memref<10240x128xf32, #tpu.memory_space<hbm>> -> memref<10240x128xf32, #tpu.memory_space<hbm>>
      tpu.enqueue_indirect_dma source(%dma_start3A_54 : memref<10240x128xf32, #tpu.memory_space<hbm>>) target(%arg10 : memref<128x128xf32, #tpu.memory_space<vmem>>) offsets(%dma_start3A_51 : memref<128xi32, #tpu.memory_space<vmem>>) semaphore(%arg13 : memref<!tpu.dma_semaphore, #tpu.memory_space<semaphore_mem>>)
      %scan3A_55 = arith.constant 0 : i32
      %scan3A_56 = arith.constant 0 : i32
      %scan3A_57 = arith.constant 20 : i32
      %scan3A_58 = arith.addi %scan3A_56, %scan3A_57 : i32
      %scan3A_59 = arith.constant 1 : i32
      scf.for %scan3A_61 = %scan3A_56 to %scan3A_58 step %scan3A_59  : i32 {
        %mul3A_62 = arith.constant 2 : i32
        %mul3A_63 = arith.muli %scan3A_61, %mul3A_62 : i32
        %add3A_64 = arith.constant 0 : i32
        %add3A_65 = arith.addi %mul3A_63, %add3A_64 : i32
        %dma_wait3A = arith.constant 0 : i32
        %dma_wait3A_66 = tpu.memref_slice %arg8[%add3A_65, %dma_wait3A] : memref<40x128xi32, #tpu.memory_space<vmem>> -> memref<1x128xi32, #tpu.memory_space<vmem>>
        %dma_wait3A_67 = tpu.memref_squeeze %dma_wait3A_66 : memref<1x128xi32, #tpu.memory_space<vmem>> -> memref<128xi32, #tpu.memory_space<vmem>>
        %dma_wait3A_68 = arith.constant 0 : i32
        %dma_wait3A_69 = arith.constant 0 : i32
        %dma_wait3A_70 = tpu.memref_slice %arg6[%dma_wait3A_68, %dma_wait3A_69] : memref<10240x128xf32, #tpu.memory_space<hbm>> -> memref<10240x128xf32, #tpu.memory_space<hbm>>
        tpu.wait_indirect_dma semaphore(%arg13 : memref<!tpu.dma_semaphore, #tpu.memory_space<semaphore_mem>>) src(%dma_wait3A_70 : memref<10240x128xf32, #tpu.memory_space<hbm>>) dst(%arg10 : memref<128x128xf32, #tpu.memory_space<vmem>>)
        %lt3A = arith.constant 39 : i32
        %lt3A_71 = arith.cmpi slt, %add3A_65, %lt3A : i32
        %convert_element_type3A_72 = arith.extui %lt3A_71 : i1 to i32
        %cond3A_73 = arith.constant 0 : i32
        %cond3A_74 = arith.cmpi ne, %convert_element_type3A_72, %cond3A_73 : i32
        scf.if %cond3A_74 {
          %add3A_90 = arith.constant 1 : i32
          %add3A_91 = arith.addi %add3A_65, %add3A_90 : i32
          %dma_start3A_92 = arith.constant 0 : i32
          %dma_start3A_93 = tpu.memref_slice %arg8[%add3A_91, %dma_start3A_92] : memref<40x128xi32, #tpu.memory_space<vmem>> -> memref<1x128xi32, #tpu.memory_space<vmem>>
          %dma_start3A_94 = tpu.memref_squeeze %dma_start3A_93 : memref<1x128xi32, #tpu.memory_space<vmem>> -> memref<128xi32, #tpu.memory_space<vmem>>
          %dma_start3A_95 = arith.constant 0 : i32
          %dma_start3A_96 = arith.constant 0 : i32
          %dma_start3A_97 = tpu.memref_slice %arg6[%dma_start3A_95, %dma_start3A_96] : memref<10240x128xf32, #tpu.memory_space<hbm>> -> memref<10240x128xf32, #tpu.memory_space<hbm>>
          tpu.enqueue_indirect_dma source(%dma_start3A_97 : memref<10240x128xf32, #tpu.memory_space<hbm>>) target(%arg11 : memref<128x128xf32, #tpu.memory_space<vmem>>) offsets(%dma_start3A_94 : memref<128xi32, #tpu.memory_space<vmem>>) semaphore(%arg14 : memref<!tpu.dma_semaphore, #tpu.memory_space<semaphore_mem>>)
        } else {
        }
        "tpu.region"() ({
          %run_scoped3A = tpu.sem_alloc : memref<!tpu.dma_semaphore, #tpu.memory_space<semaphore_mem>>
          %dma_start3A_90 = arith.constant 0 : i32
          %dma_start3A_91 = tpu.memref_slice %arg9[%add3A_65, %dma_start3A_90] : memref<40x128xi32, #tpu.memory_space<vmem>> -> memref<1x128xi32, #tpu.memory_space<vmem>>
          %dma_start3A_92 = tpu.memref_squeeze %dma_start3A_91 : memref<1x128xi32, #tpu.memory_space<vmem>> -> memref<128xi32, #tpu.memory_space<vmem>>
          %dma_start3A_93 = arith.constant 0 : i32
          %dma_start3A_94 = arith.constant 0 : i32
          %dma_start3A_95 = tpu.memref_slice %arg12[%dma_start3A_93, %dma_start3A_94] : memref<10240x128xf32, #tpu.memory_space<vmem_shared>> -> memref<10240x128xf32, #tpu.memory_space<vmem_shared>>
          tpu.enqueue_indirect_dma source(%arg10 : memref<128x128xf32, #tpu.memory_space<vmem>>) target(%dma_start3A_95 : memref<10240x128xf32, #tpu.memory_space<vmem_shared>>) offsets(%dma_start3A_92 : memref<128xi32, #tpu.memory_space<vmem>>) semaphore(%run_scoped3A : memref<!tpu.dma_semaphore, #tpu.memory_space<semaphore_mem>>) {add = true}
          %dma_wait3A_96 = arith.constant 0 : i32
          %dma_wait3A_97 = tpu.memref_slice %arg9[%add3A_65, %dma_wait3A_96] : memref<40x128xi32, #tpu.memory_space<vmem>> -> memref<1x128xi32, #tpu.memory_space<vmem>>
          %dma_wait3A_98 = tpu.memref_squeeze %dma_wait3A_97 : memref<1x128xi32, #tpu.memory_space<vmem>> -> memref<128xi32, #tpu.memory_space<vmem>>
          %dma_wait3A_99 = arith.constant 0 : i32
          %dma_wait3A_100 = arith.constant 0 : i32
          %dma_wait3A_101 = tpu.memref_slice %arg12[%dma_wait3A_99, %dma_wait3A_100] : memref<10240x128xf32, #tpu.memory_space<vmem_shared>> -> memref<10240x128xf32, #tpu.memory_space<vmem_shared>>
          tpu.wait_indirect_dma semaphore(%run_scoped3A : memref<!tpu.dma_semaphore, #tpu.memory_space<semaphore_mem>>) src(%arg10 : memref<128x128xf32, #tpu.memory_space<vmem>>) dst(%dma_wait3A_101 : memref<10240x128xf32, #tpu.memory_space<vmem_shared>>)
          tpu.yield
        }) : () -> ()
        %mul3A_75 = arith.constant 2 : i32
        %mul3A_76 = arith.muli %scan3A_61, %mul3A_75 : i32
        %add3A_77 = arith.constant 1 : i32
        %add3A_78 = arith.addi %mul3A_76, %add3A_77 : i32
        %dma_wait3A_79 = arith.constant 0 : i32
        %dma_wait3A_80 = tpu.memref_slice %arg8[%add3A_78, %dma_wait3A_79] : memref<40x128xi32, #tpu.memory_space<vmem>> -> memref<1x128xi32, #tpu.memory_space<vmem>>
        %dma_wait3A_81 = tpu.memref_squeeze %dma_wait3A_80 : memref<1x128xi32, #tpu.memory_space<vmem>> -> memref<128xi32, #tpu.memory_space<vmem>>
        %dma_wait3A_82 = arith.constant 0 : i32
        %dma_wait3A_83 = arith.constant 0 : i32
        %dma_wait3A_84 = tpu.memref_slice %arg6[%dma_wait3A_82, %dma_wait3A_83] : memref<10240x128xf32, #tpu.memory_space<hbm>> -> memref<10240x128xf32, #tpu.memory_space<hbm>>
        tpu.wait_indirect_dma semaphore(%arg14 : memref<!tpu.dma_semaphore, #tpu.memory_space<semaphore_mem>>) src(%dma_wait3A_84 : memref<10240x128xf32, #tpu.memory_space<hbm>>) dst(%arg11 : memref<128x128xf32, #tpu.memory_space<vmem>>)
        %lt3A_85 = arith.constant 39 : i32
        %lt3A_86 = arith.cmpi slt, %add3A_78, %lt3A_85 : i32
        %convert_element_type3A_87 = arith.extui %lt3A_86 : i1 to i32
        %cond3A_88 = arith.constant 0 : i32
        %cond3A_89 = arith.cmpi ne, %convert_element_type3A_87, %cond3A_88 : i32
        scf.if %cond3A_89 {
          %add3A_90 = arith.constant 1 : i32
          %add3A_91 = arith.addi %add3A_78, %add3A_90 : i32
          %dma_start3A_92 = arith.constant 0 : i32
          %dma_start3A_93 = tpu.memref_slice %arg8[%add3A_91, %dma_start3A_92] : memref<40x128xi32, #tpu.memory_space<vmem>> -> memref<1x128xi32, #tpu.memory_space<vmem>>
          %dma_start3A_94 = tpu.memref_squeeze %dma_start3A_93 : memref<1x128xi32, #tpu.memory_space<vmem>> -> memref<128xi32, #tpu.memory_space<vmem>>
          %dma_start3A_95 = arith.constant 0 : i32
          %dma_start3A_96 = arith.constant 0 : i32
          %dma_start3A_97 = tpu.memref_slice %arg6[%dma_start3A_95, %dma_start3A_96] : memref<10240x128xf32, #tpu.memory_space<hbm>> -> memref<10240x128xf32, #tpu.memory_space<hbm>>
          tpu.enqueue_indirect_dma source(%dma_start3A_97 : memref<10240x128xf32, #tpu.memory_space<hbm>>) target(%arg10 : memref<128x128xf32, #tpu.memory_space<vmem>>) offsets(%dma_start3A_94 : memref<128xi32, #tpu.memory_space<vmem>>) semaphore(%arg13 : memref<!tpu.dma_semaphore, #tpu.memory_space<semaphore_mem>>)
        } else {
        }
        "tpu.region"() ({
          %run_scoped3A = tpu.sem_alloc : memref<!tpu.dma_semaphore, #tpu.memory_space<semaphore_mem>>
          %dma_start3A_90 = arith.constant 0 : i32
          %dma_start3A_91 = tpu.memref_slice %arg9[%add3A_78, %dma_start3A_90] : memref<40x128xi32, #tpu.memory_space<vmem>> -> memref<1x128xi32, #tpu.memory_space<vmem>>
          %dma_start3A_92 = tpu.memref_squeeze %dma_start3A_91 : memref<1x128xi32, #tpu.memory_space<vmem>> -> memref<128xi32, #tpu.memory_space<vmem>>
          %dma_start3A_93 = arith.constant 0 : i32
          %dma_start3A_94 = arith.constant 0 : i32
          %dma_start3A_95 = tpu.memref_slice %arg12[%dma_start3A_93, %dma_start3A_94] : memref<10240x128xf32, #tpu.memory_space<vmem_shared>> -> memref<10240x128xf32, #tpu.memory_space<vmem_shared>>
          tpu.enqueue_indirect_dma source(%arg11 : memref<128x128xf32, #tpu.memory_space<vmem>>) target(%dma_start3A_95 : memref<10240x128xf32, #tpu.memory_space<vmem_shared>>) offsets(%dma_start3A_92 : memref<128xi32, #tpu.memory_space<vmem>>) semaphore(%run_scoped3A : memref<!tpu.dma_semaphore, #tpu.memory_space<semaphore_mem>>) {add = true}
          %dma_wait3A_96 = arith.constant 0 : i32
          %dma_wait3A_97 = tpu.memref_slice %arg9[%add3A_78, %dma_wait3A_96] : memref<40x128xi32, #tpu.memory_space<vmem>> -> memref<1x128xi32, #tpu.memory_space<vmem>>
          %dma_wait3A_98 = tpu.memref_squeeze %dma_wait3A_97 : memref<1x128xi32, #tpu.memory_space<vmem>> -> memref<128xi32, #tpu.memory_space<vmem>>
          %dma_wait3A_99 = arith.constant 0 : i32
          %dma_wait3A_100 = arith.constant 0 : i32
          %dma_wait3A_101 = tpu.memref_slice %arg12[%dma_wait3A_99, %dma_wait3A_100] : memref<10240x128xf32, #tpu.memory_space<vmem_shared>> -> memref<10240x128xf32, #tpu.memory_space<vmem_shared>>
          tpu.wait_indirect_dma semaphore(%run_scoped3A : memref<!tpu.dma_semaphore, #tpu.memory_space<semaphore_mem>>) src(%arg11 : memref<128x128xf32, #tpu.memory_space<vmem>>) dst(%dma_wait3A_101 : memref<10240x128xf32, #tpu.memory_space<vmem_shared>>)
          tpu.yield
        }) : () -> ()
      }
      %scan3A_60 = arith.constant 20 : i32
    } else {
    }
    %barrier3A_31 = arith.constant 0 : index
    tpu.barrier barrier_id(%barrier3A_31)
    %mul3A_32 = arith.constant 640 : i32
    %mul3A_33 = arith.muli %arg1, %mul3A_32 : i32
    %mul3A_34 = arith.constant 640 : i32
    %mul3A_35 = arith.muli %arg1, %mul3A_34 : i32
    "tpu.region"() ({
      %run_scoped3A = tpu.sem_alloc : memref<!tpu.dma_semaphore, #tpu.memory_space<semaphore_mem>>
      %dma_start3A = arith.constant 0 : i32
      %dma_start3A_36 = tpu.memref_slice %arg7[%arg0, %mul3A_35, %dma_start3A] : memref<2x10240x128xf32, #tpu.memory_space<hbm>> -> memref<1x640x128xf32, #tpu.memory_space<hbm>>
      %dma_start3A_37 = tpu.memref_squeeze %dma_start3A_36 : memref<1x640x128xf32, #tpu.memory_space<hbm>> -> memref<640x128xf32, #tpu.memory_space<hbm>>
      %dma_start3A_38 = arith.constant 0 : i32
      %dma_start3A_39 = tpu.memref_slice %arg12[%mul3A_33, %dma_start3A_38] : memref<10240x128xf32, #tpu.memory_space<vmem_shared>> -> memref<640x128xf32, #tpu.memory_space<vmem_shared>>
      tpu.enqueue_dma source(%dma_start3A_39 : memref<640x128xf32, #tpu.memory_space<vmem_shared>>) target(%dma_start3A_37 : memref<640x128xf32, #tpu.memory_space<hbm>>) target_semaphore(%run_scoped3A : memref<!tpu.dma_semaphore, #tpu.memory_space<semaphore_mem>>)
      %dma_wait3A = arith.constant 0 : i32
      %dma_wait3A_40 = tpu.memref_slice %arg7[%arg0, %mul3A_35, %dma_wait3A] : memref<2x10240x128xf32, #tpu.memory_space<hbm>> -> memref<1x640x128xf32, #tpu.memory_space<hbm>>
      %dma_wait3A_41 = tpu.memref_squeeze %dma_wait3A_40 : memref<1x640x128xf32, #tpu.memory_space<hbm>> -> memref<640x128xf32, #tpu.memory_space<hbm>>
      %dma_wait3A_42 = arith.constant 0 : i32
      %dma_wait3A_43 = tpu.memref_slice %arg12[%mul3A_33, %dma_wait3A_42] : memref<10240x128xf32, #tpu.memory_space<vmem_shared>> -> memref<640x128xf32, #tpu.memory_space<vmem_shared>>
      tpu.wait_dma2 semaphore(%run_scoped3A : memref<!tpu.dma_semaphore, #tpu.memory_space<semaphore_mem>>) src(%dma_wait3A_43 : memref<640x128xf32, #tpu.memory_space<vmem_shared>>) dst(%dma_wait3A_41 : memref<640x128xf32, #tpu.memory_space<hbm>>)
      tpu.yield
    }) : () -> ()
    return
  }
}

module attributes {stable_mosaic.version = 14 : i64} {
  func.func @_tc_scale_body(%arg0: i32, %arg1: memref<640x128xf32, #tpu.memory_space<vmem>>, %arg2: memref<640x1xf32, #tpu.memory_space<vmem>>, %arg3: memref<640x1xf32, #tpu.memory_space<vmem>>, %arg4: memref<640x128xf32, #tpu.memory_space<vmem>>) attributes {dimension_semantics = [#tpu.dimension_semantics<arbitrary>], iteration_bounds = array<i64: 16>, scalar_prefetch = 0 : i64, scratch_operands = 0 : i64, tpu.core_type = #tpu.core_type<tc>, window_params = [{transform_indices = @transform_0, window_bounds = array<i64: 640, 128>}, {transform_indices = @transform_1, window_bounds = array<i64: 640, 1>}, {transform_indices = @transform_2, window_bounds = array<i64: 640, 1>}, {transform_indices = @transform_3, window_bounds = array<i64: 640, 128>}]} {
    %get3A = arith.constant 0 : index
    %get3A_0 = arith.constant 0 : index
    %get3A_1 = vector.load %arg2[%get3A, %get3A_0] : memref<640x1xf32, #tpu.memory_space<vmem>>, vector<640x1xf32>
    %get3A_2 = arith.constant 0 : index
    %get3A_3 = arith.constant 0 : index
    %get3A_4 = vector.load %arg3[%get3A_2, %get3A_3] : memref<640x1xf32, #tpu.memory_space<vmem>>, vector<640x1xf32>
    %add3A = arith.addf %get3A_1, %get3A_4 : vector<640x1xf32>
    %add3A_5 = arith.constant 1.000000e+00 : f32
    %add3A_6 = vector.broadcast %add3A_5 : f32 to vector<640x1xf32>
    %add3A_7 = arith.addf %add3A, %add3A_6 : vector<640x1xf32>
    %rsqrt3A = math.rsqrt %add3A_7 : vector<640x1xf32>
    %mul3A = arith.constant 640 : i32
    %mul3A_8 = arith.muli %arg0, %mul3A : i32
    %iota3A = tpu.iota {dimensions = array<i32: 0>} : vector<640x1xi32>
    %add3A_9 = vector.broadcast %mul3A_8 : i32 to vector<640x1xi32>
    %add3A_10 = arith.addi %add3A_9, %iota3A : vector<640x1xi32>
    %lt3A = arith.constant 10000 : i32
    %lt3A_11 = vector.broadcast %lt3A : i32 to vector<640x1xi32>
    %lt3A_12 = arith.cmpi slt, %add3A_10, %lt3A_11 : vector<640x1xi32>
    %get3A_13 = arith.constant 0 : index
    %get3A_14 = arith.constant 0 : index
    %get3A_15 = vector.load %arg1[%get3A_13, %get3A_14] : memref<640x128xf32, #tpu.memory_space<vmem>>, vector<640x128xf32>
    %mul3A_16 = vector.broadcast %rsqrt3A : vector<640x1xf32> to vector<640x128xf32>
    %mul3A_17 = arith.mulf %get3A_15, %mul3A_16 : vector<640x128xf32>
    %jit3A = arith.constant 0.000000e+00 : f32
    %broadcast_in_dim3A = vector.shape_cast %lt3A_12 : vector<640x1xi1> to vector<640x1xi1>
    %broadcast_in_dim3A_18 = vector.broadcast %broadcast_in_dim3A : vector<640x1xi1> to vector<640x128xi1>
    %broadcast_in_dim3A_19 = vector.broadcast %jit3A : f32 to vector<640x128xf32>
    %select_n3A = arith.select %broadcast_in_dim3A_18, %mul3A_17, %broadcast_in_dim3A_19 : vector<640x128xi1>, vector<640x128xf32>
    %swap3A = arith.constant 0 : index
    %swap3A_20 = arith.constant 0 : index
    %swap3A_21 = vector.load %arg4[%swap3A, %swap3A_20] : memref<640x128xf32, #tpu.memory_space<vmem>>, vector<640x128xf32>
    tpu.vector_store %arg4[%swap3A, %swap3A_20], %select_n3A {strides = array<i32>} : memref<640x128xf32, #tpu.memory_space<vmem>>, vector<640x128xf32>,
    return
  }
  func.func @transform_0(%arg0: i32) -> (i32, i32) {
    %c0_i32 = arith.constant 0 : i32
    %c0_i32_0 = arith.constant 0 : i32
    return %arg0, %c0_i32 : i32, i32
  }
  func.func @transform_1(%arg0: i32) -> (i32, i32) {
    %c0_i32 = arith.constant 0 : i32
    %c0_i32_0 = arith.constant 0 : i32
    return %arg0, %c0_i32 : i32, i32
  }
  func.func @transform_2(%arg0: i32) -> (i32, i32) {
    %c0_i32 = arith.constant 0 : i32
    %c0_i32_0 = arith.constant 0 : i32
    return %arg0, %c0_i32 : i32, i32
  }
  func.func @transform_3(%arg0: i32) -> (i32, i32) {
    %c0_i32 = arith.constant 0 : i32
    %c0_i32_0 = arith.constant 0 : i32
    return %arg0, %c0_i32 : i32, i32
  }
}

module attributes {stable_mosaic.version = 14 : i64} {
  func.func @_tc_final_body(%arg0: i32, %arg1: memref<1000x128xf32, #tpu.memory_space<vmem>>, %arg2: memref<1000x1xf32, #tpu.memory_space<vmem>>, %arg3: memref<1000x1xf32, #tpu.memory_space<vmem>>, %arg4: memref<1x1000x128xf32, #tpu.memory_space<vmem>>, %arg5: memref<1x1000x128xf32, #tpu.memory_space<vmem>>, %arg6: memref<128x128xf32, #tpu.memory_space<vmem>>, %arg7: memref<1x128xf32, #tpu.memory_space<vmem>>, %arg8: memref<1x128xf32, #tpu.memory_space<vmem>>, %arg9: memref<1x128xf32, #tpu.memory_space<vmem>>, %arg10: memref<1x1xf32, #tpu.memory_space<vmem>>, %arg11: memref<1000x128xf32, #tpu.memory_space<vmem>>) attributes {dimension_semantics = [#tpu.dimension_semantics<arbitrary>], iteration_bounds = array<i64: 10>, scalar_prefetch = 0 : i64, scratch_operands = 0 : i64, tpu.core_type = #tpu.core_type<tc>, window_params = [{transform_indices = @transform_0, window_bounds = array<i64: 1000, 128>}, {transform_indices = @transform_1, window_bounds = array<i64: 1000, 1>}, {transform_indices = @transform_2, window_bounds = array<i64: 1000, 1>}, {transform_indices = @transform_3, window_bounds = array<i64: 1, 1000, 128>}, {transform_indices = @transform_4, window_bounds = array<i64: 1, 1000, 128>}, {pipeline_mode = #tpu.pipeline_mode<synchronous>, transform_indices = @transform_5, window_bounds = array<i64: 128, 128>}, {pipeline_mode = #tpu.pipeline_mode<synchronous>, transform_indices = @transform_6, window_bounds = array<i64: 1, 128>}, {pipeline_mode = #tpu.pipeline_mode<synchronous>, transform_indices = @transform_7, window_bounds = array<i64: 1, 128>}, {pipeline_mode = #tpu.pipeline_mode<synchronous>, transform_indices = @transform_8, window_bounds = array<i64: 1, 128>}, {pipeline_mode = #tpu.pipeline_mode<synchronous>, transform_indices = @transform_9, window_bounds = array<i64: 1, 1>}, {transform_indices = @transform_10, window_bounds = array<i64: 1000, 128>}]} {
    %get3A = arith.constant 0 : index
    %get3A_0 = arith.constant 0 : index
    %get3A_1 = vector.load %arg2[%get3A, %get3A_0] : memref<1000x1xf32, #tpu.memory_space<vmem>>, vector<1000x1xf32>
    %get3A_2 = arith.constant 0 : index
    %get3A_3 = arith.constant 0 : index
    %get3A_4 = vector.load %arg3[%get3A_2, %get3A_3] : memref<1000x1xf32, #tpu.memory_space<vmem>>, vector<1000x1xf32>
    %add3A = arith.addf %get3A_1, %get3A_4 : vector<1000x1xf32>
    %add3A_5 = arith.constant 1.000000e+00 : f32
    %add3A_6 = vector.broadcast %add3A_5 : f32 to vector<1000x1xf32>
    %add3A_7 = arith.addf %add3A, %add3A_6 : vector<1000x1xf32>
    %rsqrt3A = math.rsqrt %add3A_7 : vector<1000x1xf32>
    %get3A_8 = arith.constant 0 : index
    %get3A_9 = arith.constant 0 : index
    %get3A_10 = arith.constant 0 : index
    %get3A_11 = vector.load %arg4[%get3A_8, %get3A_9, %get3A_10] : memref<1x1000x128xf32, #tpu.memory_space<vmem>>, vector<1x1000x128xf32>
    %get3A_12 = vector.shape_cast %get3A_11 : vector<1x1000x128xf32> to vector<1000x128xf32>
    %get3A_13 = arith.constant 0 : index
    %get3A_14 = arith.constant 0 : index
    %get3A_15 = arith.constant 0 : index
    %get3A_16 = vector.load %arg5[%get3A_13, %get3A_14, %get3A_15] : memref<1x1000x128xf32, #tpu.memory_space<vmem>>, vector<1x1000x128xf32>
    %get3A_17 = vector.shape_cast %get3A_16 : vector<1x1000x128xf32> to vector<1000x128xf32>
    %add3A_18 = arith.addf %get3A_12, %get3A_17 : vector<1000x128xf32>
    %mul3A = vector.broadcast %rsqrt3A : vector<1000x1xf32> to vector<1000x128xf32>
    %mul3A_19 = arith.mulf %add3A_18, %mul3A : vector<1000x128xf32>
    %get3A_20 = arith.constant 0 : index
    %get3A_21 = arith.constant 0 : index
    %get3A_22 = vector.load %arg1[%get3A_20, %get3A_21] : memref<1000x128xf32, #tpu.memory_space<vmem>>, vector<1000x128xf32>
    %div3A = arith.constant 1.000000e+00 : f32
    %div3A_23 = vector.broadcast %div3A : f32 to vector<1000x1xf32>
    %div3A_24 = arith.divf %div3A_23, %add3A_7 : vector<1000x1xf32>
    %mul3A_25 = vector.broadcast %div3A_24 : vector<1000x1xf32> to vector<1000x128xf32>
    %mul3A_26 = arith.mulf %get3A_22, %mul3A_25 : vector<1000x128xf32>
    %add3A_27 = arith.addf %mul3A_19, %mul3A_26 : vector<1000x128xf32>
    %get3A_28 = arith.constant 0 : index
    %get3A_29 = arith.constant 0 : index
    %get3A_30 = vector.load %arg6[%get3A_28, %get3A_29] : memref<128x128xf32, #tpu.memory_space<vmem>>, vector<128x128xf32>
    %dot_general3A = arith.constant dense<0.000000e+00> : vector<1000x128xf32>
    %dot_general3A_31 = tpu.matmul %add3A_27, %get3A_30, %dot_general3A {dimension_numbers = #tpu.dot_dimension_numbers<[1], [0], [0], [1], [0, 0, 1, 1], [], []>, transpose_lhs_hint = false} : vector<1000x128xf32>, vector<128x128xf32>, vector<1000x128xf32> -> vector<1000x128xf32>
    %get3A_32 = arith.constant 0 : index
    %get3A_33 = arith.constant 0 : index
    %get3A_34 = vector.load %arg7[%get3A_32, %get3A_33] : memref<1x128xf32, #tpu.memory_space<vmem>>, vector<1x128xf32>
    %add3A_35 = vector.broadcast %get3A_34 : vector<1x128xf32> to vector<1000x128xf32>
    %add3A_36 = arith.addf %dot_general3A_31, %add3A_35 : vector<1000x128xf32>
    %reduce_sum3A = arith.constant dense<0.000000e+00> : vector<1000xf32>
    %reduce_sum3A_37 = vector.multi_reduction <add>, %add3A_36, %reduce_sum3A [1] : vector<1000x128xf32> to vector<1000xf32>
    %broadcast_in_dim3A = vector.shape_cast %reduce_sum3A_37 : vector<1000xf32> to vector<1000x1xf32>
    %div3A_38 = arith.constant 1.280000e+02 : f32
    %div3A_39 = vector.broadcast %div3A_38 : f32 to vector<1000x1xf32>
    %div3A_40 = arith.divf %broadcast_in_dim3A, %div3A_39 : vector<1000x1xf32>
    %sub3A = vector.broadcast %div3A_40 : vector<1000x1xf32> to vector<1000x128xf32>
    %sub3A_41 = arith.subf %add3A_36, %sub3A : vector<1000x128xf32>
    %mul3A_42 = arith.mulf %sub3A_41, %sub3A_41 : vector<1000x128xf32>
    %reduce_sum3A_43 = arith.constant dense<0.000000e+00> : vector<1000xf32>
    %reduce_sum3A_44 = vector.multi_reduction <add>, %mul3A_42, %reduce_sum3A_43 [1] : vector<1000x128xf32> to vector<1000xf32>
    %broadcast_in_dim3A_45 = vector.shape_cast %reduce_sum3A_44 : vector<1000xf32> to vector<1000x1xf32>
    %div3A_46 = arith.constant 1.280000e+02 : f32
    %div3A_47 = vector.broadcast %div3A_46 : f32 to vector<1000x1xf32>
    %div3A_48 = arith.divf %broadcast_in_dim3A_45, %div3A_47 : vector<1000x1xf32>
    %add3A_49 = arith.constant 9.99999974E-6 : f32
    %add3A_50 = vector.broadcast %add3A_49 : f32 to vector<1000x1xf32>
    %add3A_51 = arith.addf %div3A_48, %add3A_50 : vector<1000x1xf32>
    %rsqrt3A_52 = math.rsqrt %add3A_51 : vector<1000x1xf32>
    %mul3A_53 = vector.broadcast %rsqrt3A_52 : vector<1000x1xf32> to vector<1000x128xf32>
    %mul3A_54 = arith.mulf %sub3A_41, %mul3A_53 : vector<1000x128xf32>
    %get3A_55 = arith.constant 0 : index
    %get3A_56 = arith.constant 0 : index
    %get3A_57 = vector.load %arg8[%get3A_55, %get3A_56] : memref<1x128xf32, #tpu.memory_space<vmem>>, vector<1x128xf32>
    %mul3A_58 = vector.broadcast %get3A_57 : vector<1x128xf32> to vector<1000x128xf32>
    %mul3A_59 = arith.mulf %mul3A_54, %mul3A_58 : vector<1000x128xf32>
    %get3A_60 = arith.constant 0 : index
    %get3A_61 = arith.constant 0 : index
    %get3A_62 = vector.load %arg9[%get3A_60, %get3A_61] : memref<1x128xf32, #tpu.memory_space<vmem>>, vector<1x128xf32>
    %add3A_63 = vector.broadcast %get3A_62 : vector<1x128xf32> to vector<1000x128xf32>
    %add3A_64 = arith.addf %mul3A_59, %add3A_63 : vector<1000x128xf32>
    %ge3A = arith.constant 0.000000e+00 : f32
    %ge3A_65 = vector.broadcast %ge3A : f32 to vector<1000x128xf32>
    %ge3A_66 = arith.cmpf oge, %add3A_64, %ge3A_65 : vector<1000x128xf32>
    %get3A_67 = arith.constant 0 : index
    %get3A_68 = arith.constant 0 : index
    %get3A_69 = vector.load %arg10[%get3A_67, %get3A_68] : memref<1x1xf32, #tpu.memory_space<vmem>>, vector<1x1xf32>
    %mul3A_70 = vector.broadcast %get3A_69 : vector<1x1xf32> to vector<1000x128xf32>
    %mul3A_71 = arith.mulf %mul3A_70, %add3A_64 : vector<1000x128xf32>
    %select_n3A = arith.select %ge3A_66, %add3A_64, %mul3A_71 : vector<1000x128xi1>, vector<1000x128xf32>
    %swap3A = arith.constant 0 : index
    %swap3A_72 = arith.constant 0 : index
    %swap3A_73 = vector.load %arg11[%swap3A, %swap3A_72] : memref<1000x128xf32, #tpu.memory_space<vmem>>, vector<1000x128xf32>
    tpu.vector_store %arg11[%swap3A, %swap3A_72], %select_n3A {strides = array<i32>} : memref<1000x128xf32, #tpu.memory_space<vmem>>, vector<1000x128xf32>,
    return
  }
  func.func @transform_0(%arg0: i32) -> (i32, i32) {
    %c0_i32 = arith.constant 0 : i32
    %c0_i32_0 = arith.constant 0 : i32
    return %arg0, %c0_i32 : i32, i32
  }
  func.func @transform_1(%arg0: i32) -> (i32, i32) {
    %c0_i32 = arith.constant 0 : i32
    %c0_i32_0 = arith.constant 0 : i32
    return %arg0, %c0_i32 : i32, i32
  }
  func.func @transform_2(%arg0: i32) -> (i32, i32) {
    %c0_i32 = arith.constant 0 : i32
    %c0_i32_0 = arith.constant 0 : i32
    return %arg0, %c0_i32 : i32, i32
  }
  func.func @transform_3(%arg0: i32) -> (i32, i32, i32) {
    %c0_i32 = arith.constant 0 : i32
    %c0_i32_0 = arith.constant 0 : i32
    %c0_i32_1 = arith.constant 0 : i32
    return %c0_i32, %arg0, %c0_i32_0 : i32, i32, i32
  }
  func.func @transform_4(%arg0: i32) -> (i32, i32, i32) {
    %c1_i32 = arith.constant 1 : i32
    %c0_i32 = arith.constant 0 : i32
    %c0_i32_0 = arith.constant 0 : i32
    return %c1_i32, %arg0, %c0_i32 : i32, i32, i32
  }
  func.func @transform_5(%arg0: i32) -> (i32, i32) {
    %c0_i32 = arith.constant 0 : i32
    %c0_i32_0 = arith.constant 0 : i32
    %c0_i32_1 = arith.constant 0 : i32
    return %c0_i32, %c0_i32_0 : i32, i32
  }
  func.func @transform_6(%arg0: i32) -> (i32, i32) {
    %c0_i32 = arith.constant 0 : i32
    %c0_i32_0 = arith.constant 0 : i32
    %c0_i32_1 = arith.constant 0 : i32
    return %c0_i32, %c0_i32_0 : i32, i32
  }
  func.func @transform_7(%arg0: i32) -> (i32, i32) {
    %c0_i32 = arith.constant 0 : i32
    %c0_i32_0 = arith.constant 0 : i32
    %c0_i32_1 = arith.constant 0 : i32
    return %c0_i32, %c0_i32_0 : i32, i32
  }
  func.func @transform_8(%arg0: i32) -> (i32, i32) {
    %c0_i32 = arith.constant 0 : i32
    %c0_i32_0 = arith.constant 0 : i32
    %c0_i32_1 = arith.constant 0 : i32
    return %c0_i32, %c0_i32_0 : i32, i32
  }
  func.func @transform_9(%arg0: i32) -> (i32, i32) {
    %c0_i32 = arith.constant 0 : i32
    %c0_i32_0 = arith.constant 0 : i32
    %c0_i32_1 = arith.constant 0 : i32
    return %c0_i32, %c0_i32_0 : i32, i32
  }
  func.func @transform_10(%arg0: i32) -> (i32, i32) {
    %c0_i32 = arith.constant 0 : i32
    %c0_i32_0 = arith.constant 0 : i32
    return %arg0, %c0_i32 : i32, i32
  }
}

</mosaic_0001>

<sc_bundles>
// kernel: kernel.6.cloned.1.call-start
scs
__scs_entry_jumppad:
0x0: {  	(pc) =	sbr.rel $0x88, $3  }
0x1: {  	(tag) =	ssettag $0x0;
	lr =	simm.s32 $0x1  }
0x2: {  	[smem:$0x3F9A] =	sst lr;
	_ =	strace $0xD0000000  }
0x3: {  	_ = 	snop  }
0x4: {  	_ = 	snop  }
0x5: {  	_ = 	snop  }
0x6: {  	_ = 	snop  }
0x7: {  	_ = 	snop  }
__scs_overlays_trampoline_lowered:
0x8: {  	[smem:$0x3FA9] =	sst s0  }
0x9: {  	[smem:$0x3FAA] =	sst s1  }
0xa: {  	[smem:$0x3FAB] =	sst s2  }
0xb: {  	[smem:$0x3FAC] =	sst s3  }
0xc: {  	[smem:$0x3FAD] =	sst s4  }
0xd: {  	[smem:$0x3FAE] =	sst s5  }
0xe: {  	[smem:$0x3FAF] =	sst s6  }
0xf: {  	[smem:$0x3FB0] =	sst s7  }
0x10: {  	[smem:$0x3FB1] =	sst s8  }
0x11: {  	[smem:$0x3FB2] =	sst s9;
	s0 =	simm.s32 @!p0 $0x0  }
0x12: {  	s1 =	sld [smem:$0x3F98];
	s0 =	simm.s32 @p0 $0x1  }
0x13: {  	[smem:$0x3FB3] =	sst s0;
	s0 =	simm.s32 @!p1 $0x0  }
0x14: {  	s2 =	sld [smem:$0x3F97];
	s0 =	simm.s32 @p1 $0x1  }
0x15: {  	[smem:$0x3FB4] =	sst s0;
	s0 =	simm.s32 @!p2 $0x0  }
0x16: {  	s3 =	sld [smem:$0x3FDB];
	s0 =	simm.s32 @p2 $0x1  }
0x17: {  	s4 =	simm.s32 $0x1BF5;
	[smem:$0x3FB6] =	sst s0  }
0x18: {  	s0 =	sld [smem:$0x3F99];
	_ =	swait.ge [sflag:s4], $0x0  }
0x19: {  	s7 =	sld [smem:$0x3F9A]  }
0x1a: {  	s8 =	sadd.s32 $0xFFFFE003, lr  }
0x1b: {  	s9 =	sadd.s32 $0xFFFFFEF7, lr;
	s5 =	simm.s32 $0xFFFFFFFF;
	p2 =	slt.u32 s8, $0xFFFFF086  }
0x1c: {  	p1 =	slt.u32 s9, $0xF7A;
	s5 =	simm.s32 @!p2 $0x0  }
0x1d: {  	s5 =	simm.s32 @p1 $0x1;
	p0 =	seq.s32 s7, s2  }
0x1e: {  	s7 =	smul.u32 @!p0 $0xF7A, s2;
	p2 =	seq.s32 @!p0 s5, $0x0  }
0x1f: {  	s9 =	smul.u32 $0xF7A, s1;
	s8 =	simm.s32 @!p0 $0x1BF5;
	p2 =	por !p2, p0  }
0x20: {  	[sflag:s8] =	ssyncset.s32 @!p0 $0xFFFFF086;
	s6 =	sadd.s32 @!p0 s3, s7;
	s7 =	simm.s32 @!p0 $0x108  }
0x21: {  	s3 =	sadd.s32 s3, s9;
	s6 =	sadd.s32 @!p0 $0x88, s6;
	s7 =	simm.s32 @p2 $0x1082  }
0x22: {  	[simem:s7], [sflag:s8] =	dma.local @!p0 [hbm:s6], $0xF7A  }
0x23: {  	s9 =	sor.u32 $0xD0000000, s2;
	s6 =	simm.s32 $0x108;
	_ =	swait.ge @!p0 [sflag:s8], $0x0  }
0x24: {  	s3 =	sadd.s32 $0x88, s3;
	s6 =	simm.s32 @!p1 $0x1082;
	[sflag:s4] =	ssyncset.s32 $0xFFFFF086  }
0x25: {  	[simem:s6], [sflag:s4] =	dma.local [hbm:s3], $0xF7A  }
0x26: {  	[smem:$0x3F9A] =	sst s1;
	(tag) =	ssettag s2;
	_ =	strace s9  }
0x27: {  	s1 =	sld [smem:$0x3FAA]  }
0x28: {  	s2 =	sld [smem:$0x3FAB]  }
0x29: {  	s4 =	sld [smem:$0x3FAD]  }
0x2a: {  	p0 =	seq.s32 s5, $0x0;
	s5 =	sld [smem:$0x3FAE]  }
0x2b: {  	s6 =	sld [smem:$0x3FAF]  }
0x2c: {  	s7 =	sld [smem:$0x3FB0]  }
0x2d: {  	s3 =	simm.s32 $0x108;
	s8 =	sld [smem:$0x3FB1]  }
0x2e: {  	s3 =	simm.s32 @!p0 $0x1082;
	s9 =	sld [smem:$0x3FB2]  }
0x2f: {  	lr =	sadd.s32 s0, s3;
	s0 =	sld [smem:$0x3FA9]  }
0x30: {  	s3 =	sld [smem:$0x3FAC]  }
0x31: {  	[smem:$0x3FB5] =	sst s10  }
0x32: {  	s10 =	sld [smem:$0x3FB3];
	_ =	sdelay $0x3  }
0x33: {  	p0 =	seq.s32 s10, $0x1;
	s10 =	sld [smem:$0x3FB5];
	_ =	sdelay $0x3  }
0x34: {  	[smem:$0x3FB5] =	sst s10  }
0x35: {  	s10 =	sld [smem:$0x3FB4];
	_ =	sdelay $0x3  }
0x36: {  	p1 =	seq.s32 s10, $0x1;
	s10 =	sld [smem:$0x3FB5];
	_ =	sdelay $0x3  }
0x37: {  	[smem:$0x3FB5] =	sst s10  }
0x38: {  	s10 =	sld [smem:$0x3FB6]  }
0x39: {  	_ = 	snop;
	(pc) =	sbr.ind lr, $3  }
0x3a: {  	_ = 	snop  }
0x3b: {  	_ = 	snop  }
0x3c: {  	p2 =	seq.s32 s10, $0x1;
	s10 =	sld [smem:$0x3FB5]  }
0x3d: {  	_ =	shalt  }
0x3e: {  	_ =	shalt  }
0x3f: {  	_ =	shalt  }
0x40: {  	_ =	shalt  }
0x41: {  	_ =	shalt  }
0x42: {  	_ =	shalt  }
0x43: {  	_ =	shalt  }
0x44: {  	_ =	shalt  }
0x45: {  	_ =	shalt  }
0x46: {  	_ =	shalt  }
0x47: {  	_ =	shalt  }
0x48: {  	_ =	shalt  }
0x49: {  	_ =	shalt  }
0x4a: {  	_ =	shalt  }
0x4b: {  	_ =	shalt  }
0x4c: {  	_ =	shalt  }
0x4d: {  	_ =	shalt  }
0x4e: {  	_ =	shalt  }
0x4f: {  	_ =	shalt  }
0x50: {  	_ =	shalt  }
0x51: {  	_ =	shalt  }
0x52: {  	_ =	shalt  }
0x53: {  	_ =	shalt  }
0x54: {  	_ =	shalt  }
0x55: {  	_ =	shalt  }
0x56: {  	_ =	shalt  }
0x57: {  	_ =	shalt  }
0x58: {  	_ =	shalt  }
0x59: {  	_ =	shalt  }
0x5a: {  	_ =	shalt  }
0x5b: {  	_ =	shalt  }
0x5c: {  	_ =	shalt  }
0x5d: {  	_ =	shalt  }
0x5e: {  	_ =	shalt  }
0x5f: {  	_ =	shalt  }
0x60: {  	_ =	shalt  }
0x61: {  	_ =	shalt  }
0x62: {  	_ =	shalt  }
0x63: {  	_ =	shalt  }
0x64: {  	_ =	shalt  }
0x65: {  	_ =	shalt  }
0x66: {  	_ =	shalt  }
0x67: {  	_ =	shalt  }
0x68: {  	_ =	shalt  }
0x69: {  	_ =	shalt  }
0x6a: {  	_ =	shalt  }
0x6b: {  	_ =	shalt  }
0x6c: {  	_ =	shalt  }
0x6d: {  	_ =	shalt  }
0x6e: {  	_ =	shalt  }
0x6f: {  	_ =	shalt  }
0x70: {  	_ =	shalt  }
0x71: {  	_ =	shalt  }
0x72: {  	_ =	shalt  }
0x73: {  	_ =	shalt  }
0x74: {  	_ =	shalt  }
0x75: {  	_ =	shalt  }
0x76: {  	_ =	shalt  }
0x77: {  	_ =	shalt  }
0x78: {  	_ =	shalt  }
0x79: {  	_ =	shalt  }
0x7a: {  	_ =	shalt  }
0x7b: {  	_ =	shalt  }
0x7c: {  	_ =	shalt  }
0x7d: {  	_ =	shalt  }
0x7e: {  	_ =	shalt  }
0x7f: {  	_ =	shalt  }
0x80: {  	_ =	shalt  }
0x81: {  	_ =	shalt  }
0x82: {  	_ =	shalt  }
0x83: {  	_ =	shalt  }
0x84: {  	_ =	shalt  }
0x85: {  	_ =	shalt  }
0x86: {  	_ =	shalt  }
0x87: {  	_ =	shalt  }
.Lfunc_end0:
.L_simem_size_0:
called_computation_lowered:
.L_overlay_start_0:
0x88: {  	s2 =	sld [smem:$0x3FD9]  }
0x89: {  	s3 =	sld [smem:$0x3FFE];
	_ =	sdelay $0x1  }
0x8a: {  	s1 =	srdreg.scid  }
0x8b: {  	s0 =	sand.u32 $0x1, s1  }
0x8c: {  	s17 =	sshll.u32 s0, $0xA;
	s2 =	sadd.s32 s3, s2  }
0x8d: {  	s2 =	sadd.s32 s2, s17  }
0x8e: {  	[smem:$0x3FC1] =	sst s2  }
0x8f: {  	_ = 	snop  }
0x90: {  	s2 =	sld [smem:$0x3FD0];
	(tm) =	ssettm $0x1  }
0x91: {  	s18 =	sld [smem:$0x3FFB];
	_ =	sdelay $0x3  }
0x92: {  	_ =	strace s18  }
0x93: {  	s3 =	sld [smem:$0x3FFC];
	_ =	sdelay $0x3  }
0x94: {  	_ =	strace s3  }
0x95: {  	s3 =	sld [smem:$0x3FFD];
	_ =	sdelay $0x3  }
0x96: {  	_ =	strace s3  }
0x97: {  	_ =	strace $0x8FFFFFFF  }
0x98: {  	s19 =	sld [smem:$0x3FDB];
	_ =	sdelay $0x1  }
0x99: {  	s4 =	simm.s32 $_scs_section_size  }
0x9a: {  	s5 =	simm.s32 $_size__tile_overlayer_lowered;
	s6 =	simm.s32 $_tile_overlayer_lowered  }
0x9b: {  	s22 =	simm.s32 $0x1BFF;
	s21 =	sshll.u32 s6, $0x1;
	s3 =	sadd.s32 s4, s19  }
0x9c: {  	s7 =	simm.s32 $0x0;
	s20 =	sshll.u32 s5, $0x1;
	s5 =	sadd.s32 s21, s3  }
0x9d: {  	[timem:s7], [sflag:s22] =	dma.local [hbm:s5], s20  }
0x9e: {  	_ =	swait.ge [sflag:s22], s20  }
0x9f: {  	s4 =	ssub.s32 $0x0, s20;
	[sflag:s22] =	ssyncset.done $0x0  }
0xa0: {  	[sflag:s22] =	ssyncadd.s32 s4;
	_ =	sdelay $0x1  }
0xa1: {  	s23 =	simm.s32 $0x1B8B  }
0xa2: {  	_ =	swait.ge [sflag:s23], $0x1  }
0xa3: {  	[sflag:s23] =	ssyncset.done $0x0  }
0xa4: {  	s25 =	simm.s32 $0x1B8E;
	s24 =	sld [smem:$0x3FFE];
	[sflag:s23] =	ssyncadd.s32 $0xFFFFFFFF  }
0xa5: {  	s26 =	simm.s32 $execute0_lowered;
	[smem:$0x3FD2] =	sst s25  }
0xa6: {  	s5 =	sshll.u32 s26, $0x1;
	_ =	strace $0x80000046;
	[dreg:$0x1] =	wrdreg $0xFFFFFFFF  }
0xa7: {  	s28 =	simm.s32 $_size_execute0_lowered;
	s3 =	sadd.s32 s3, s5;
	[dreg:$0x0] =	wrdreg $0x0  }
0xa8: {  	s5 =	sshll.u32 s28, $0x1;
	[dreg:$0x2] =	wrdreg s3  }
0xa9: {  	[dreg:$0x3] =	wrdreg s5  }
0xaa: {  	[dreg:$0x4] =	wrdreg $0xC0  }
0xab: {  	_ =	task [dreg:s7], $0x5FFFF  }
0xac: {  	[dreg:$0x1] =	wrdreg $0xFFFFFFFF  }
0xad: {  	[dreg:$0x0] =	wrdreg $0x60  }
0xae: {  	[dreg:$0x2] =	wrdreg s2  }
0xaf: {  	[dreg:$0x3] =	wrdreg s24  }
0xb0: {  	[dreg:$0x4] =	wrdreg $0x2B000  }
0xb1: {  	[dreg:$0x5] =	wrdreg $0x9  }
0xb2: {  	_ =	task.clear_ibuf [dreg:s7], $0x6FFFF;
	_ =	strace $0x90000046  }
0xb3: {  	s29 =	simm.s32 $0x9;
	_ =	strace $0x80000048  }
0xb4: {  	_ =	swait.ge [sflag:s29], $0x1  }
0xb5: {  	[sflag:s29] =	ssyncadd.s32 $0xFFFFFFFF  }
0xb6: {  	_ =	strace $0x90000048  }
0xb7: {  	_ =	sfence  }
0xb8: {  	s30 =	sld [smem:$0x0];
	_ =	sdelay $0x2  }
0xb9: {  	s31 =	sshll.u32 s1, $0xD;
	s1 =	sshrl.u32 s1, $0x2  }
0xba: {  	s3 =	sand.u32 $0x4000, s31;
	s1 =	sadd.s32 s1, s30  }
0xbb: {  	s0 =	sor.u32 s3, s0;
	s1 =	sshll.u32 s1, $0x11  }
0xbc: {  	s0 =	sor.u32 s1, s0  }
0xbd: {  	s0 =	sadd.s32 $0x8F2B, s0  }
0xbe: {  	[sflag:s0] =	ssyncadd.remote.s32 $0x1  }
0xbf: {  	_ =	sfence.sel $0xFFFF  }
0xc0: {  	[dreg:$0x0] =	wrdreg $0xFFFFFFFF;
	(pc) =	sbr.abs _section_cstart, $3  }
0xc1: {  	[dreg:$0x1] =	wrdreg $0xFFFFFFFF  }
0xc2: {  	_ =	task.clear_ibuf [dreg:s7], $0x2FFFF;
	_ =	strace $0x9FFFFFFF  }
0xc3: {  	(tm) =	ssettm $0x7FFFFFFF  }
tec
execute0_lowered:
.L_overlay_start_1:
0x0: {  	(tag) =	ssettag $0x1  }
0x1: {  	s5 =	rddreg [dreg:$0x0]  }
0x2: {  	s4 =	rddreg [dreg:$0x1]  }
0x3: {  	s2 =	rddreg [dreg:$0x2]  }
0x4: {  	s0 =	rddreg [dreg:$0x3]  }
0x5: {  	s3 =	simm.s32 $0x0;
	s6 =	srdreg.scid;
	s1 =	stileid.u32  }
0x6: {  	s11 =	simm.s32 $0x2800;
	s14 =	simm.s32 $0x20;
	s15 =	simm.s32 $0x10  }
0x7: {  	s16 =	simm.s32 $0x0;
	[smem:$0x7FF] =	sst s3;
	s7 =	smul.u32 $0x500, s1  }
0x8: {  	s6 =	sand.u32 $0x1, s6;
	s30 =	smul.u32 $0xA00, s1;
	s12 =	sshll.u32 s1, $0x6  }
0x9: {  	_ =	strace $0x80000047;
	s8 =	sshll.u32 s6, $0x7;
	s9 =	sshll.u32 s6, $0x4  }
0xa: {  	s6 =	ssub.s32 $0x2, s6;
	s12 =	sor.u32 $0x1C01, s12;
	s7 =	sor.u32 s8, s7  }
0xb: {  	s9 =	sor.u32 s1, s9;
	s31 =	sshrl.u32 s6, $0x1;
	s8 =	sshrl.u32 s30, $0x2  }
0xc: {  	s7 =	sshrl.u32 s7, $0x3;
	s9 =	smul.u32 $0x500, s9;
	s10 =	ssub.s32 s6, s31  }
0xd: {  	s7 =	sadd.s32 s7, s4;
	s4 =	sadd.s32 s8, s2;
	s8 =	simm.s32 $0x2880  }
0xe: {  	s5 =	sadd.s32 s5, s9;
	s6 =	sadd.s32 $0x1A00, s7;
	s7 =	smax.u32 s10, $0x1  }
0xf: {  	v0 =	vimm.f32 $0.0e+00;
	v1 =	vimm.f32 $1.000000000e+00;
	s9 =	simm.s32 $0x1;
	s10 =	simm.s32 $0x80;
	s13 =	sshrl.u32 s4, $0x3  }
.LBB2_1:
0x10: {  	[tilespmem:$0x2880] =	vst v0  }
0x11: {  	[tilespmem:$0x2890] =	vst v0  }
0x12: {  	[tilespmem:$0x28A0] =	vst v0  }
0x13: {  	[tilespmem:$0x28B0] =	vst v0  }
0x14: {  	[tilespmem:$0x28C0] =	vst v0  }
0x15: {  	[tilespmem:$0x28D0] =	vst v0  }
0x16: {  	[tilespmem:$0x28E0] =	vst v0  }
0x17: {  	[tilespmem:$0x28F0] =	vst v0  }
0x18: {  	[tilespmem:$0x2900] =	vst v0  }
0x19: {  	[tilespmem:$0x2910] =	vst v0  }
0x1a: {  	[tilespmem:$0x2920] =	vst v0  }
0x1b: {  	[tilespmem:$0x2930] =	vst v0  }
0x1c: {  	[tilespmem:$0x2940] =	vst v0  }
0x1d: {  	[tilespmem:$0x2950] =	vst v0  }
0x1e: {  	[tilespmem:$0x2960] =	vst v0  }
0x1f: {  	[tilespmem:$0x2970] =	vst v0  }
0x20: {  	[tilespmem:$0x2980] =	vst v0  }
0x21: {  	[tilespmem:$0x2990] =	vst v0  }
0x22: {  	[tilespmem:$0x29A0] =	vst v0  }
0x23: {  	[tilespmem:$0x29B0] =	vst v0  }
0x24: {  	[tilespmem:$0x29C0] =	vst v0  }
0x25: {  	[tilespmem:$0x29D0] =	vst v0  }
0x26: {  	[tilespmem:$0x29E0] =	vst v0  }
0x27: {  	[tilespmem:$0x29F0] =	vst v0  }
0x28: {  	[tilespmem:$0x2A00] =	vst v0  }
0x29: {  	[tilespmem:$0x2A10] =	vst v0  }
0x2a: {  	[tilespmem:$0x2A20] =	vst v0  }
0x2b: {  	[tilespmem:$0x2A30] =	vst v0  }
0x2c: {  	[tilespmem:$0x2A40] =	vst v0  }
0x2d: {  	[tilespmem:$0x2A50] =	vst v0  }
0x2e: {  	[tilespmem:$0x2A60] =	vst v0  }
0x2f: {  	[tilespmem:$0x2A70] =	vst v0  }
0x30: {  	[tilespmem:$0x2A80] =	vst v0  }
0x31: {  	[tilespmem:$0x2A90] =	vst v0  }
0x32: {  	[tilespmem:$0x2AA0] =	vst v0  }
0x33: {  	[tilespmem:$0x2AB0] =	vst v0  }
0x34: {  	[tilespmem:$0x2AC0] =	vst v0  }
0x35: {  	[tilespmem:$0x2AD0] =	vst v0  }
0x36: {  	[tilespmem:$0x2AE0] =	vst v0  }
0x37: {  	[tilespmem:$0x2AF0] =	vst v0  }
0x38: {  	[tilespmem:$0x2800] =	vst v1  }
0x39: {  	[tilespmem:$0x2810] =	vst v1  }
0x3a: {  	[tilespmem:$0x2820] =	vst v1  }
0x3b: {  	[tilespmem:$0x2830] =	vst v1  }
0x3c: {  	[tilespmem:$0x2840] =	vst v1  }
0x3d: {  	[tilespmem:$0x2850] =	vst v1  }
0x3e: {  	[tilespmem:$0x2860] =	vst v1  }
0x3f: {  	[tilespmem:$0x2870] =	vst v1  }
0x40: {  	[spmem:s4] =	stream.linear.scatter [tilespmem:s8], [sflag:$0x1], $0x280, $0x38;
	[tilespmem:$0x2D80] =	vst v63  }
0x41: {  	_ =	swait.ge [sflag:s9], $0x280  }
0x42: {  	[sflag:s9] =	ssyncset.done $0x0  }
0x43: {  	[sflag:s9] =	ssyncadd.s32 $0xFFFFFD80  }
0x44: {  	[bflag:$0x0] =	sbarrier.arrive $0xFFFF  }
0x45: {  	[tilespmem:s3], [sflag:$0x1] =	stream.linear.gather [hbm4b:s5+s3], $0x2800, $0x38;
	[tilespmem:$0x2D80] =	vst v63  }
0x46: {  	_ =	swait.ge [sflag:s9], $0x2800  }
0x47: {  	[sflag:s9] =	ssyncset.done $0x0  }
0x48: {  	s17 =	simm.s32 $0x0;
	[sflag:s9] =	ssyncadd.s32 $0xFFFFD800  }
0x49: {  	[spmem:s2] =	stream.indirect.scatter.add.f32 [tilespmem:s11], [sflag:$0x1], $0x1, s17, s10, $0xb8;
	[tilespmem:$0x2D80] =	vst v63  }
0x4a: {  	_ =	swait.ge [sflag:s9], $0x80  }
0x4b: {  	s17 =	simm.s32 $0x200;
	[sflag:s9] =	ssyncset.done $0x0  }
.LBB2_2:
0x4c: {  	s18 =	sshra.s32 s17, $0x2;
	[sflag:s9] =	ssyncadd.s32 $0xFFFFFF80;
	p0 =	sne.s32 s17, $0x9E00  }
0x4d: {  	[spmem:s2] =	stream.indirect.scatter.add.f32 [tilespmem:s11], [sflag:$0x1], $0x1, s18, s10, $0xb8;
	[tilespmem:$0x2D80] =	vst v63  }
.Ltmp0:
0x4e: {  	_ = 	snop;
	(pc) =	sbr.rel @p0 .LBB2_2-.Ltmp0, $4  }
0x4f: {  	_ = 	snop  }
0x50: {  	s17 =	sadd.s32 $0x200, s17  }
0x51: {  	_ =	swait.ge [sflag:s9], $0x80  }
0x52: {  	[sflag:s9] =	ssyncset.done $0x0  }
0x53: {  	s16 =	sadd.s32 $0x1, s16  }
0x54: {  	[sflag:s9] =	ssyncadd.s32 $0xFFFFFF80;
	p0 =	sne.s32 s16, s7  }
.Ltmp1:
0x55: {  	[bflag:$0x0] =	sbarrier.arrive $0xFFFF;
	(pc) =	sbr.rel @p0 .LBB2_1-.Ltmp1, $4  }
0x56: {  	[hbm:s6@s14], [sflag:s12] =	dma.strided [spmem:s13@s15], $0x50, s9, $0x10   }
0x57: {  	_ =	swait.ge [sflag:s9], $0x50  }
0x58: {  	[sflag:s9] =	ssyncset.done $0x0  }
0x59: {  	[sflag:s9] =	ssyncadd.s32 $0xFFFFFFB0  }
0x5a: {  	_ =	sfence.sel $0x180000  }
0x5b: {  	[bflag:$0x0] =	sbarrier.arrive $0xFFFF  }
0x5c: {  	p0 =	sne.s32 s1, $0x0;
	_ =	strace $0x90000047  }
0x5d: {  	s0 =	sadd.s32 @!p0 $0x100000, s0;
	[bflag:$0x2] =	sbarrier.arrive $0xFFFF  }
0x5e: {  	[sflag:s0] =	ssyncadd.tile.s32 @!p0 $0x1;
	_ =	shalt  }
.Lfunc_end2:
_tile_overlayer_lowered:
.L_overlay_start_2:
0x5f: {  	(tag) =	ssettag $0x2  }
0x60: {  	s0 =	rddreg [dreg:$0x0];
	s2 =	stileid.u32  }
0x61: {  	s1 =	rddreg [dreg:$0x1];
	p0 =	sne.s32 s2, $0x0  }
0x62: {  	s3 =	rddreg [dreg:$0x2];
	[bflag:$0x3] =	sbarrier.arrive $0xFFFF;
	s2 =	simm.s32 @!p0 $0x1C01  }
0x63: {  	[timem:s3], [sflag:s2] =	dma.local @!p0 [hbm:s0], s1  }
0x64: {  	s0 =	simm.s32 @!p0 $0x1  }
0x65: {  	_ =	swait.ge @!p0 [sflag:s0], s1  }
0x66: {  	s1 =	ssub.s32 @!p0 $0x0, s1;
	[sflag:s0] =	ssyncset.done @!p0 $0x0  }
0x67: {  	[sflag:s0] =	ssyncadd.s32 @!p0 s1  }
0x68: {  	[bflag:$0x3] =	sbarrier.arrive $0xFFFF  }
0x69: {  	_ =	shalt  }

// kernel: kernel.9.cloned.1.call-start
scs
__scs_entry_jumppad:
0x0: {  	(pc) =	sbr.rel $0x88, $3  }
0x1: {  	(tag) =	ssettag $0x0;
	lr =	simm.s32 $0x1  }
0x2: {  	[smem:$0x3F9A] =	sst lr;
	_ =	strace $0xD0000000  }
0x3: {  	_ = 	snop  }
0x4: {  	_ = 	snop  }
0x5: {  	_ = 	snop  }
0x6: {  	_ = 	snop  }
0x7: {  	_ = 	snop  }
__scs_overlays_trampoline_lowered:
0x8: {  	[smem:$0x3FA9] =	sst s0  }
0x9: {  	[smem:$0x3FAA] =	sst s1  }
0xa: {  	[smem:$0x3FAB] =	sst s2  }
0xb: {  	[smem:$0x3FAC] =	sst s3  }
0xc: {  	[smem:$0x3FAD] =	sst s4  }
0xd: {  	[smem:$0x3FAE] =	sst s5  }
0xe: {  	[smem:$0x3FAF] =	sst s6  }
0xf: {  	[smem:$0x3FB0] =	sst s7  }
0x10: {  	[smem:$0x3FB1] =	sst s8  }
0x11: {  	[smem:$0x3FB2] =	sst s9;
	s0 =	simm.s32 @!p0 $0x0  }
0x12: {  	s1 =	sld [smem:$0x3F98];
	s0 =	simm.s32 @p0 $0x1  }
0x13: {  	[smem:$0x3FB3] =	sst s0;
	s0 =	simm.s32 @!p1 $0x0  }
0x14: {  	s2 =	sld [smem:$0x3F97];
	s0 =	simm.s32 @p1 $0x1  }
0x15: {  	[smem:$0x3FB4] =	sst s0;
	s0 =	simm.s32 @!p2 $0x0  }
0x16: {  	s3 =	sld [smem:$0x3FDB];
	s0 =	simm.s32 @p2 $0x1  }
0x17: {  	s4 =	simm.s32 $0x1BF5;
	[smem:$0x3FB6] =	sst s0  }
0x18: {  	s0 =	sld [smem:$0x3F99];
	_ =	swait.ge [sflag:s4], $0x0  }
0x19: {  	s7 =	sld [smem:$0x3F9A]  }
0x1a: {  	s8 =	sadd.s32 $0xFFFFE003, lr  }
0x1b: {  	s9 =	sadd.s32 $0xFFFFFEF7, lr;
	s5 =	simm.s32 $0xFFFFFFFF;
	p2 =	slt.u32 s8, $0xFFFFF086  }
0x1c: {  	p1 =	slt.u32 s9, $0xF7A;
	s5 =	simm.s32 @!p2 $0x0  }
0x1d: {  	s5 =	simm.s32 @p1 $0x1;
	p0 =	seq.s32 s7, s2  }
0x1e: {  	s7 =	smul.u32 @!p0 $0xF7A, s2;
	p2 =	seq.s32 @!p0 s5, $0x0  }
0x1f: {  	s9 =	smul.u32 $0xF7A, s1;
	s8 =	simm.s32 @!p0 $0x1BF5;
	p2 =	por !p2, p0  }
0x20: {  	[sflag:s8] =	ssyncset.s32 @!p0 $0xFFFFF086;
	s6 =	sadd.s32 @!p0 s3, s7;
	s7 =	simm.s32 @!p0 $0x108  }
0x21: {  	s3 =	sadd.s32 s3, s9;
	s6 =	sadd.s32 @!p0 $0x88, s6;
	s7 =	simm.s32 @p2 $0x1082  }
0x22: {  	[simem:s7], [sflag:s8] =	dma.local @!p0 [hbm:s6], $0xF7A  }
0x23: {  	s9 =	sor.u32 $0xD0000000, s2;
	s6 =	simm.s32 $0x108;
	_ =	swait.ge @!p0 [sflag:s8], $0x0  }
0x24: {  	s3 =	sadd.s32 $0x88, s3;
	s6 =	simm.s32 @!p1 $0x1082;
	[sflag:s4] =	ssyncset.s32 $0xFFFFF086  }
0x25: {  	[simem:s6], [sflag:s4] =	dma.local [hbm:s3], $0xF7A  }
0x26: {  	[smem:$0x3F9A] =	sst s1;
	(tag) =	ssettag s2;
	_ =	strace s9  }
0x27: {  	s1 =	sld [smem:$0x3FAA]  }
0x28: {  	s2 =	sld [smem:$0x3FAB]  }
0x29: {  	s4 =	sld [smem:$0x3FAD]  }
0x2a: {  	p0 =	seq.s32 s5, $0x0;
	s5 =	sld [smem:$0x3FAE]  }
0x2b: {  	s6 =	sld [smem:$0x3FAF]  }
0x2c: {  	s7 =	sld [smem:$0x3FB0]  }
0x2d: {  	s3 =	simm.s32 $0x108;
	s8 =	sld [smem:$0x3FB1]  }
0x2e: {  	s3 =	simm.s32 @!p0 $0x1082;
	s9 =	sld [smem:$0x3FB2]  }
0x2f: {  	lr =	sadd.s32 s0, s3;
	s0 =	sld [smem:$0x3FA9]  }
0x30: {  	s3 =	sld [smem:$0x3FAC]  }
0x31: {  	[smem:$0x3FB5] =	sst s10  }
0x32: {  	s10 =	sld [smem:$0x3FB3];
	_ =	sdelay $0x3  }
0x33: {  	p0 =	seq.s32 s10, $0x1;
	s10 =	sld [smem:$0x3FB5];
	_ =	sdelay $0x3  }
0x34: {  	[smem:$0x3FB5] =	sst s10  }
0x35: {  	s10 =	sld [smem:$0x3FB4];
	_ =	sdelay $0x3  }
0x36: {  	p1 =	seq.s32 s10, $0x1;
	s10 =	sld [smem:$0x3FB5];
	_ =	sdelay $0x3  }
0x37: {  	[smem:$0x3FB5] =	sst s10  }
0x38: {  	s10 =	sld [smem:$0x3FB6]  }
0x39: {  	_ = 	snop;
	(pc) =	sbr.ind lr, $3  }
0x3a: {  	_ = 	snop  }
0x3b: {  	_ = 	snop  }
0x3c: {  	p2 =	seq.s32 s10, $0x1;
	s10 =	sld [smem:$0x3FB5]  }
0x3d: {  	_ =	shalt  }
0x3e: {  	_ =	shalt  }
0x3f: {  	_ =	shalt  }
0x40: {  	_ =	shalt  }
0x41: {  	_ =	shalt  }
0x42: {  	_ =	shalt  }
0x43: {  	_ =	shalt  }
0x44: {  	_ =	shalt  }
0x45: {  	_ =	shalt  }
0x46: {  	_ =	shalt  }
0x47: {  	_ =	shalt  }
0x48: {  	_ =	shalt  }
0x49: {  	_ =	shalt  }
0x4a: {  	_ =	shalt  }
0x4b: {  	_ =	shalt  }
0x4c: {  	_ =	shalt  }
0x4d: {  	_ =	shalt  }
0x4e: {  	_ =	shalt  }
0x4f: {  	_ =	shalt  }
0x50: {  	_ =	shalt  }
0x51: {  	_ =	shalt  }
0x52: {  	_ =	shalt  }
0x53: {  	_ =	shalt  }
0x54: {  	_ =	shalt  }
0x55: {  	_ =	shalt  }
0x56: {  	_ =	shalt  }
0x57: {  	_ =	shalt  }
0x58: {  	_ =	shalt  }
0x59: {  	_ =	shalt  }
0x5a: {  	_ =	shalt  }
0x5b: {  	_ =	shalt  }
0x5c: {  	_ =	shalt  }
0x5d: {  	_ =	shalt  }
0x5e: {  	_ =	shalt  }
0x5f: {  	_ =	shalt  }
0x60: {  	_ =	shalt  }
0x61: {  	_ =	shalt  }
0x62: {  	_ =	shalt  }
0x63: {  	_ =	shalt  }
0x64: {  	_ =	shalt  }
0x65: {  	_ =	shalt  }
0x66: {  	_ =	shalt  }
0x67: {  	_ =	shalt  }
0x68: {  	_ =	shalt  }
0x69: {  	_ =	shalt  }
0x6a: {  	_ =	shalt  }
0x6b: {  	_ =	shalt  }
0x6c: {  	_ =	shalt  }
0x6d: {  	_ =	shalt  }
0x6e: {  	_ =	shalt  }
0x6f: {  	_ =	shalt  }
0x70: {  	_ =	shalt  }
0x71: {  	_ =	shalt  }
0x72: {  	_ =	shalt  }
0x73: {  	_ =	shalt  }
0x74: {  	_ =	shalt  }
0x75: {  	_ =	shalt  }
0x76: {  	_ =	shalt  }
0x77: {  	_ =	shalt  }
0x78: {  	_ =	shalt  }
0x79: {  	_ =	shalt  }
0x7a: {  	_ =	shalt  }
0x7b: {  	_ =	shalt  }
0x7c: {  	_ =	shalt  }
0x7d: {  	_ =	shalt  }
0x7e: {  	_ =	shalt  }
0x7f: {  	_ =	shalt  }
0x80: {  	_ =	shalt  }
0x81: {  	_ =	shalt  }
0x82: {  	_ =	shalt  }
0x83: {  	_ =	shalt  }
0x84: {  	_ =	shalt  }
0x85: {  	_ =	shalt  }
0x86: {  	_ =	shalt  }
0x87: {  	_ =	shalt  }
.Lfunc_end0:
.L_simem_size_0:
called_computation.1_lowered:
.L_overlay_start_0:
0x88: {  	s2 =	sld [smem:$0x3FD9]  }
0x89: {  	s3 =	sld [smem:$0x3FFE];
	_ =	sdelay $0x1  }
0x8a: {  	s1 =	srdreg.scid  }
0x8b: {  	s0 =	sand.u32 $0x1, s1  }
0x8c: {  	s16 =	sshll.u32 s0, $0xA;
	s2 =	sadd.s32 s3, s2  }
0x8d: {  	s2 =	sadd.s32 s2, s16  }
0x8e: {  	[smem:$0x3FC1] =	sst s2  }
0x8f: {  	_ = 	snop  }
0x90: {  	(tm) =	ssettm $0x1  }
0x91: {  	s17 =	sld [smem:$0x3FFB];
	_ =	sdelay $0x3  }
0x92: {  	_ =	strace s17  }
0x93: {  	s2 =	sld [smem:$0x3FFC];
	_ =	sdelay $0x3  }
0x94: {  	_ =	strace s2  }
0x95: {  	s2 =	sld [smem:$0x3FFD];
	_ =	sdelay $0x3  }
0x96: {  	_ =	strace s2  }
0x97: {  	_ =	strace $0x8FFFFFFF  }
0x98: {  	s18 =	sld [smem:$0x3FDB];
	_ =	sdelay $0x1  }
0x99: {  	s19 =	simm.s32 $_scs_section_size  }
0x9a: {  	s4 =	simm.s32 $_size__tile_overlayer_lowered;
	s5 =	simm.s32 $_tile_overlayer_lowered  }
0x9b: {  	s22 =	simm.s32 $0x1BFF;
	s21 =	sshll.u32 s5, $0x1;
	s2 =	sadd.s32 s19, s18  }
0x9c: {  	s6 =	simm.s32 $0x0;
	s20 =	sshll.u32 s4, $0x1;
	s4 =	sadd.s32 s21, s2  }
0x9d: {  	[timem:s6], [sflag:s22] =	dma.local [hbm:s4], s20  }
0x9e: {  	_ =	swait.ge [sflag:s22], s20  }
0x9f: {  	s3 =	ssub.s32 $0x0, s20;
	[sflag:s22] =	ssyncset.done $0x0  }
0xa0: {  	[sflag:s22] =	ssyncadd.s32 s3;
	_ =	sdelay $0x1  }
0xa1: {  	s23 =	simm.s32 $0x1B8B  }
0xa2: {  	_ =	swait.ge [sflag:s23], $0x1  }
0xa3: {  	[sflag:s23] =	ssyncset.done $0x0  }
0xa4: {  	s25 =	simm.s32 $0x1B8E;
	s24 =	sld [smem:$0x3FFE];
	[sflag:s23] =	ssyncadd.s32 $0xFFFFFFFF  }
0xa5: {  	s26 =	simm.s32 $execute0_lowered;
	[smem:$0x3FD2] =	sst s25  }
0xa6: {  	s4 =	sshll.u32 s26, $0x1;
	_ =	strace $0x80000049;
	[dreg:$0x1] =	wrdreg $0xFFFFFFFF  }
0xa7: {  	s28 =	simm.s32 $_size_execute0_lowered;
	s2 =	sadd.s32 s2, s4;
	[dreg:$0x0] =	wrdreg $0x0  }
0xa8: {  	s4 =	sshll.u32 s28, $0x1;
	[dreg:$0x2] =	wrdreg s2  }
0xa9: {  	[dreg:$0x3] =	wrdreg s4  }
0xaa: {  	[dreg:$0x4] =	wrdreg $0xC0  }
0xab: {  	_ =	task [dreg:s6], $0x5FFFF  }
0xac: {  	[dreg:$0x1] =	wrdreg $0xFFFFFFFF  }
0xad: {  	[dreg:$0x0] =	wrdreg $0x60  }
0xae: {  	[dreg:$0x2] =	wrdreg s24  }
0xaf: {  	[dreg:$0x3] =	wrdreg $0xA8000  }
0xb0: {  	[dreg:$0x4] =	wrdreg $0x9  }
0xb1: {  	_ =	task.clear_ibuf [dreg:s6], $0x5FFFF;
	_ =	strace $0x90000049  }
0xb2: {  	s29 =	simm.s32 $0x9;
	_ =	strace $0x8000004B  }
0xb3: {  	_ =	swait.ge [sflag:s29], $0x1  }
0xb4: {  	[sflag:s29] =	ssyncadd.s32 $0xFFFFFFFF  }
0xb5: {  	_ =	strace $0x9000004B  }
0xb6: {  	_ =	sfence  }
0xb7: {  	s30 =	sld [smem:$0x0];
	_ =	sdelay $0x2  }
0xb8: {  	s31 =	sshll.u32 s1, $0xD;
	s1 =	sshrl.u32 s1, $0x2  }
0xb9: {  	s3 =	sand.u32 $0x4000, s31;
	s1 =	sadd.s32 s1, s30  }
0xba: {  	s0 =	sor.u32 s3, s0;
	s1 =	sshll.u32 s1, $0x11  }
0xbb: {  	s0 =	sor.u32 s1, s0  }
0xbc: {  	s0 =	sadd.s32 $0x8F2B, s0  }
0xbd: {  	[sflag:s0] =	ssyncadd.remote.s32 $0x1  }
0xbe: {  	_ =	sfence.sel $0xFFFF  }
0xbf: {  	[dreg:$0x0] =	wrdreg $0xFFFFFFFF;
	(pc) =	sbr.abs _section_cstart, $3  }
0xc0: {  	[dreg:$0x1] =	wrdreg $0xFFFFFFFF  }
0xc1: {  	_ =	task.clear_ibuf [dreg:s6], $0x2FFFF;
	_ =	strace $0x9FFFFFFF  }
0xc2: {  	(tm) =	ssettm $0x7FFFFFFF  }
0xc3: {  	_ =	shalt  }
tec
execute0_lowered:
.L_overlay_start_1:
0x0: {  	(tag) =	ssettag $0x1  }
0x1: {  	s0 =	rddreg [dreg:$0x0]  }
0x2: {  	s1 =	rddreg [dreg:$0x1];
	s3 =	simm.s32 $0x0  }
0x3: {  	s2 =	srdreg.scid;
	s20 =	simm.s32 $0x2800;
	s21 =	simm.s32 $0x3  }
0x4: {  	s22 =	simm.s32 $0x1400;
	s23 =	simm.s32 $0x80;
	s24 =	simm.s32 $0x1  }
0x5: {  	s25 =	simm.s32 $0x6800;
	s28 =	simm.s32 $0x1380;
	s29 =	simm.s32 $0x2700  }
0x6: {  	s30 =	simm.s32 $0x2780;
	[smem:$0x7FF] =	sst s3;
	s10 =	sand.u32 $0x1, s2  }
0x7: {  	s2 =	stileid.u32;
	s12 =	sadd.s32 $0x11400, s0;
	s4 =	smul.u32 $0x140000, s10  }
0x8: {  	s13 =	sadd.s32 $0xC400, s0;
	s16 =	sadd.s32 $0x2400, s0;
	s5 =	smul.u32 $0x14000, s2  }
0x9: {  	s17 =	sadd.s32 $0x7400, s0;
	_ =	strace $0x8000004A;
	s6 =	smul.u32 $0x50000, s2  }
0xa: {  	s7 =	ssub.s32 $0x2, s10;
	s11 =	smul.u32 $0x2800, s2;
	p0 =	seq.s32 s10, $0x1  }
0xb: {  	s26 =	sshrl.u32 s7, $0x1;
	s5 =	sadd.s32 s5, s4;
	s4 =	sadd.s32 $0x16400, s0  }
0xc: {  	s6 =	sshrl.u32 s6, $0x2;
	s19 =	ssub.s32 s7, s26;
	s15 =	sshrl.u32 s11, $0x3  }
0xd: {  	s26 =	simm.s32 $0x2;
	s5 =	sshrl.u32 s5, $0x3;
	s31 =	sadd.s32 s12, s15  }
0xe: {  	s11 =	sadd.s32 s13, s15;
	s18 =	sadd.s32 $0x280, s15;
	s14 =	sadd.s32 s16, s15  }
.Ltmp0:
0xf: {  	s15 =	sadd.s32 s17, s15;
	s19 =	smax.u32 s19, $0x1;
	(pc) =	sbr.rel .LBB2_1-.Ltmp0, $4  }
0x10: {  	s0 =	sadd.s32 s5, s0;
	s5 =	sadd.s32 s6, s1;
	[dreg:$0x3] =	wrdreg s31  }
0x11: {  	s12 =	sadd.s32 s12, s18;
	s13 =	sadd.s32 s13, s18;
	s16 =	sadd.s32 s16, s18  }
0x12: {  	s17 =	sadd.s32 s17, s18;
	s6 =	sadd.s32 $0x4000, s5;
	s7 =	sadd.s32 $0x8000, s5  }
0x13: {  	v0 =	vimm.f32 $0.0e+00;
	s8 =	sadd.s32 $0xC000, s5;
	s9 =	sadd.s32 $0x10000, s5;
	s18 =	sadd.s32 $0x3E400, s0  }
.LBB2_8:
0x14: {  	[sflag:s21] =	ssyncadd.s32 $0xFFFFC000  }
.LBB2_14:
0x15: {  	_ =	swait.ge [sflag:s24], $0x4000  }
0x16: {  	[sflag:s24] =	ssyncset.done $0x0  }
0x17: {  	[sflag:s24] =	ssyncadd.s32 $0xFFFFC000  }
0x18: {  	[tilespmem:s25], [sflag:$0x2] =	stream.indirect.gather [hbm4b:s4+s23], $0x80, s28, s23, $0xb8;
	[tilespmem:$0x1E800] =	vst v63  }
0x19: {  	_ = 	snop  }
0x1a: {  	[spmem:s1] =	stream.indirect.scatter.add.f32 [tilespmem:s20], [sflag:$0x3], $0x80, s29, s23, $0xb8;
	[tilespmem:$0x1E800] =	vst v63  }
0x1b: {  	_ =	swait.ge [sflag:s21], $0x4000  }
0x1c: {  	[sflag:s21] =	ssyncset.done $0x0  }
0x1d: {  	[sflag:s21] =	ssyncadd.s32 $0xFFFFC000  }
0x1e: {  	_ =	swait.ge [sflag:s26], $0x4000  }
0x1f: {  	[sflag:s26] =	ssyncset.done $0x0  }
0x20: {  	[sflag:s26] =	ssyncadd.s32 $0xFFFFC000  }
0x21: {  	[spmem:s1] =	stream.indirect.scatter.add.f32 [tilespmem:s25], [sflag:$0x3], $0x80, s30, s23, $0xb8;
	[tilespmem:$0x1E800] =	vst v63  }
0x22: {  	_ =	swait.ge [sflag:s21], $0x4000  }
0x23: {  	s0 =	sshll.u32 s2, $0x6;
	s3 =	sadd.s32 $0x1, s3;
	[sflag:s21] =	ssyncset.done $0x0  }
0x24: {  	s10 =	sshrl.u32 s5, $0x3;
	p1 =	sne.s32 s3, s19;
	[sflag:s21] =	ssyncadd.s32 $0xFFFFC000  }
.Ltmp1:
0x25: {  	s0 =	sor.u32 $0x1C03, s0;
	[bflag:$0x0] =	sbarrier.arrive $0xFFFF;
	(pc) =	sbr.rel @!p1 .LBB2_15-.Ltmp1, $4  }
0x26: {  	[hbm:s18], [sflag:s0] =	dma.local [spmem:s10], $0x2800  }
0x27: {  	_ =	swait.ge [sflag:s21], $0x2800  }
0x28: {  	[sflag:s21] =	ssyncset.done $0x0  }
0x29: {  	[sflag:s21] =	ssyncadd.s32 $0xFFFFD800  }
.LBB2_1:
0x2a: {  	s31 =	simm.s32 $0x0;
	s0 =	simm.s32 $0x200  }
.LBB2_2:
0x2b: {  	p1 =	sne.s32 s0, $0xFE00;
	[tilespmem:s31+$0x2870] =	vst v0  }
0x2c: {  	[tilespmem:s31+$0x2800] =	vst v0  }
0x2d: {  	[tilespmem:s31+$0x2810] =	vst v0  }
.Ltmp2:
0x2e: {  	[tilespmem:s31+$0x2820] =	vst v0;
	(pc) =	sbr.rel @p1 .LBB2_2-.Ltmp2, $4  }
0x2f: {  	[tilespmem:s31+$0x2830] =	vst v0  }
0x30: {  	[tilespmem:s31+$0x2840] =	vst v0  }
0x31: {  	[tilespmem:s31+$0x2850] =	vst v0  }
0x32: {  	[tilespmem:s31+$0x2860] =	vst v0;
	s31 =	sshra.s32 s0, $0x2;
	s0 =	sadd.s32 $0x200, s0  }
0x33: {  	[tilespmem:s31+$0x2870] =	vst v0  }
0x34: {  	[tilespmem:s31+$0x2800] =	vst v0  }
0x35: {  	[tilespmem:s31+$0x2810] =	vst v0  }
0x36: {  	[tilespmem:s31+$0x2820] =	vst v0  }
0x37: {  	[tilespmem:s31+$0x2830] =	vst v0  }
0x38: {  	[tilespmem:s31+$0x2840] =	vst v0  }
0x39: {  	[tilespmem:s31+$0x2850] =	vst v0  }
0x3a: {  	[tilespmem:s31+$0x2860] =	vst v0  }
0x3b: {  	[spmem:s5] =	stream.linear.scatter [tilespmem:s20], [sflag:$0x3], $0x4000, $0x38;
	[tilespmem:$0x1E800] =	vst v63  }
0x3c: {  	_ =	swait.ge [sflag:s21], $0x4000  }
0x3d: {  	[sflag:s21] =	ssyncset.done $0x0  }
0x3e: {  	[sflag:s21] =	ssyncadd.s32 $0xFFFFC000  }
0x3f: {  	[spmem:s6] =	stream.linear.scatter [tilespmem:s20], [sflag:$0x3], $0x4000, $0x38;
	[tilespmem:$0x1E800] =	vst v63  }
0x40: {  	_ =	swait.ge [sflag:s21], $0x4000  }
0x41: {  	[sflag:s21] =	ssyncset.done $0x0  }
0x42: {  	[sflag:s21] =	ssyncadd.s32 $0xFFFFC000  }
0x43: {  	[spmem:s7] =	stream.linear.scatter [tilespmem:s20], [sflag:$0x3], $0x4000, $0x38;
	[tilespmem:$0x1E800] =	vst v63  }
0x44: {  	_ =	swait.ge [sflag:s21], $0x4000  }
0x45: {  	[sflag:s21] =	ssyncset.done $0x0  }
0x46: {  	[sflag:s21] =	ssyncadd.s32 $0xFFFFC000  }
0x47: {  	[spmem:s8] =	stream.linear.scatter [tilespmem:s20], [sflag:$0x3], $0x4000, $0x38;
	[tilespmem:$0x1E800] =	vst v63  }
0x48: {  	_ =	swait.ge [sflag:s21], $0x4000  }
0x49: {  	[sflag:s21] =	ssyncset.done $0x0  }
0x4a: {  	[sflag:s21] =	ssyncadd.s32 $0xFFFFC000  }
0x4b: {  	[spmem:s9] =	stream.linear.scatter [tilespmem:s20], [sflag:$0x3], $0x4000, $0x38;
	[tilespmem:$0x1E800] =	vst v63  }
.Ltmp3:
0x4c: {  	_ =	swait.ge [sflag:s21], $0x4000;
	(pc) =	sbr.rel @!p0 .LBB2_4-.Ltmp3, $4  }
0x4d: {  	[sflag:s21] =	ssyncset.done $0x0  }
0x4e: {  	[sflag:s21] =	ssyncadd.s32 $0xFFFFC000  }
0x4f: {  	[bflag:$0x0] =	sbarrier.arrive $0xFFFF  }
0x50: {  	s0 =	simm.s32 $0x0  }
0x51: {  	[tilespmem:s0], [sflag:$0x3] =	stream.linear.gather [hbm4b:s14+s0], $0x1400, $0x38;
	[tilespmem:$0x1E800] =	vst v63  }
0x52: {  	_ =	swait.ge [sflag:s21], $0x1400  }
0x53: {  	[sflag:s21] =	ssyncset.done $0x0  }
0x54: {  	[sflag:s21] =	ssyncadd.s32 $0xFFFFEC00  }
0x55: {  	[tilespmem:s22], [sflag:$0x3] =	stream.linear.gather [hbm4b:s15+s0], $0x1400, $0x38;
	[tilespmem:$0x1E800] =	vst v63  }
0x56: {  	_ =	swait.ge [sflag:s21], $0x1400  }
0x57: {  	[sflag:s21] =	ssyncset.done $0x0  }
0x58: {  	[sflag:s21] =	ssyncadd.s32 $0xFFFFEC00  }
0x59: {  	[tilespmem:s20], [sflag:$0x1] =	stream.indirect.gather [hbm4b:s4+s23], $0x80, s0, s23, $0xb8;
	[tilespmem:$0x1E800] =	vst v63  }
0x5a: {  	_ =	swait.ge [sflag:s24], $0x4000  }
0x5b: {  	[sflag:s24] =	ssyncset.done $0x0  }
0x5c: {  	s10 =	simm.s32 $0x80;
	[sflag:s24] =	ssyncadd.s32 $0xFFFFC000  }
0x5d: {  	[tilespmem:s25], [sflag:$0x2] =	stream.indirect.gather [hbm4b:s4+s23], $0x80, s10, s23, $0xb8;
	[tilespmem:$0x1E800] =	vst v63  }
0x5e: {  	s10 =	simm.s32 $0x1400  }
0x5f: {  	[spmem:s1] =	stream.indirect.scatter.add.f32 [tilespmem:s20], [sflag:$0x3], $0x80, s10, s23, $0xb8;
	[tilespmem:$0x1E800] =	vst v63  }
0x60: {  	_ =	swait.ge [sflag:s21], $0x4000  }
0x61: {  	[sflag:s21] =	ssyncset.done $0x0  }
0x62: {  	[sflag:s21] =	ssyncadd.s32 $0xFFFFC000  }
0x63: {  	_ =	swait.ge [sflag:s26], $0x4000  }
0x64: {  	[sflag:s26] =	ssyncset.done $0x0  }
0x65: {  	s10 =	simm.s32 $0x100;
	[sflag:s26] =	ssyncadd.s32 $0xFFFFC000  }
0x66: {  	[tilespmem:s20], [sflag:$0x1] =	stream.indirect.gather [hbm4b:s4+s23], $0x80, s10, s23, $0xb8;
	[tilespmem:$0x1E800] =	vst v63  }
0x67: {  	s10 =	simm.s32 $0x1480  }
0x68: {  	[spmem:s1] =	stream.indirect.scatter.add.f32 [tilespmem:s25], [sflag:$0x3], $0x80, s10, s23, $0xb8;
	[tilespmem:$0x1E800] =	vst v63  }
0x69: {  	_ =	swait.ge [sflag:s21], $0x4000  }
0x6a: {  	s31 =	simm.s32 $0x400;
	[sflag:s21] =	ssyncset.done $0x0  }
.LBB2_10:
0x6b: {  	p1 =	sne.s32 s31, $0x4800  }
0x6c: {  	[sflag:s21] =	ssyncadd.s32 $0xFFFFC000;
	s0 =	smov.u32 s31;
	s31 =	sadd.s32 $0x400, s31  }
0x6d: {  	_ = 	snop  }
0x6e: {  	_ =	swait.ge [sflag:s24], $0x4000  }
0x6f: {  	s0 =	sshra.s32 s0, $0x2;
	[sflag:s24] =	ssyncset.done $0x0  }
0x70: {  	s10 =	sadd.s32 $0x80, s0;
	[sflag:s24] =	ssyncadd.s32 $0xFFFFC000  }
0x71: {  	[tilespmem:s25], [sflag:$0x2] =	stream.indirect.gather [hbm4b:s4+s23], $0x80, s10, s23, $0xb8;
	[tilespmem:$0x1E800] =	vst v63  }
0x72: {  	s10 =	sadd.s32 $0x1400, s0  }
0x73: {  	[spmem:s1] =	stream.indirect.scatter.add.f32 [tilespmem:s20], [sflag:$0x3], $0x80, s10, s23, $0xb8;
	[tilespmem:$0x1E800] =	vst v63  }
0x74: {  	_ =	swait.ge [sflag:s21], $0x4000  }
0x75: {  	[sflag:s21] =	ssyncset.done $0x0  }
0x76: {  	[sflag:s21] =	ssyncadd.s32 $0xFFFFC000  }
0x77: {  	_ =	swait.ge [sflag:s26], $0x4000  }
0x78: {  	[sflag:s26] =	ssyncset.done $0x0  }
0x79: {  	s10 =	sadd.s32 $0x100, s0;
	[sflag:s26] =	ssyncadd.s32 $0xFFFFC000  }
0x7a: {  	[tilespmem:s20], [sflag:$0x1] =	stream.indirect.gather [hbm4b:s4+s23], $0x80, s10, s23, $0xb8;
	[tilespmem:$0x1E800] =	vst v63  }
.Ltmp4:
0x7b: {  	_ = 	snop;
	(pc) =	sbr.rel @p1 .LBB2_10-.Ltmp4, $4  }
0x7c: {  	s0 =	sadd.s32 $0x1480, s0  }
0x7d: {  	[spmem:s1] =	stream.indirect.scatter.add.f32 [tilespmem:s25], [sflag:$0x3], $0x80, s0, s23, $0xb8;
	[tilespmem:$0x1E800] =	vst v63  }
0x7e: {  	_ =	swait.ge [sflag:s21], $0x4000  }
0x7f: {  	[sflag:s21] =	ssyncset.done $0x0  }
0x80: {  	[sflag:s21] =	ssyncadd.s32 $0xFFFFC000  }
0x81: {  	_ =	swait.ge [sflag:s24], $0x4000  }
0x82: {  	[sflag:s24] =	ssyncset.done $0x0  }
0x83: {  	[sflag:s24] =	ssyncadd.s32 $0xFFFFC000  }
0x84: {  	[tilespmem:s25], [sflag:$0x2] =	stream.indirect.gather [hbm4b:s4+s23], $0x80, s28, s23, $0xb8;
	[tilespmem:$0x1E800] =	vst v63  }
0x85: {  	_ = 	snop  }
0x86: {  	[spmem:s1] =	stream.indirect.scatter.add.f32 [tilespmem:s20], [sflag:$0x3], $0x80, s29, s23, $0xb8;
	[tilespmem:$0x1E800] =	vst v63  }
0x87: {  	_ =	swait.ge [sflag:s21], $0x4000  }
0x88: {  	[sflag:s21] =	ssyncset.done $0x0  }
0x89: {  	[sflag:s21] =	ssyncadd.s32 $0xFFFFC000  }
0x8a: {  	_ =	swait.ge [sflag:s26], $0x4000  }
0x8b: {  	[sflag:s26] =	ssyncset.done $0x0  }
0x8c: {  	[sflag:s26] =	ssyncadd.s32 $0xFFFFC000  }
0x8d: {  	[spmem:s1] =	stream.indirect.scatter.add.f32 [tilespmem:s25], [sflag:$0x3], $0x80, s30, s23, $0xb8;
	[tilespmem:$0x1E800] =	vst v63  }
0x8e: {  	_ =	swait.ge [sflag:s21], $0x4000  }
0x8f: {  	[sflag:s21] =	ssyncset.done $0x0  }
0x90: {  	s0 =	simm.s32 $0x0;
	[sflag:s21] =	ssyncadd.s32 $0xFFFFC000  }
0x91: {  	[tilespmem:s0], [sflag:$0x3] =	stream.linear.gather [hbm4b:s16+s0], $0x1400, $0x38;
	[tilespmem:$0x1E800] =	vst v63  }
0x92: {  	_ =	swait.ge [sflag:s21], $0x1400  }
0x93: {  	[sflag:s21] =	ssyncset.done $0x0  }
0x94: {  	[sflag:s21] =	ssyncadd.s32 $0xFFFFEC00  }
0x95: {  	[tilespmem:s22], [sflag:$0x3] =	stream.linear.gather [hbm4b:s17+s0], $0x1400, $0x38;
	[tilespmem:$0x1E800] =	vst v63  }
0x96: {  	_ =	swait.ge [sflag:s21], $0x1400  }
0x97: {  	[sflag:s21] =	ssyncset.done $0x0  }
0x98: {  	[sflag:s21] =	ssyncadd.s32 $0xFFFFEC00  }
0x99: {  	[tilespmem:s20], [sflag:$0x1] =	stream.indirect.gather [hbm4b:s4+s23], $0x80, s0, s23, $0xb8;
	[tilespmem:$0x1E800] =	vst v63  }
0x9a: {  	_ =	swait.ge [sflag:s24], $0x4000  }
0x9b: {  	[sflag:s24] =	ssyncset.done $0x0  }
0x9c: {  	s10 =	simm.s32 $0x80;
	[sflag:s24] =	ssyncadd.s32 $0xFFFFC000  }
0x9d: {  	[tilespmem:s25], [sflag:$0x2] =	stream.indirect.gather [hbm4b:s4+s23], $0x80, s10, s23, $0xb8;
	[tilespmem:$0x1E800] =	vst v63  }
0x9e: {  	s10 =	simm.s32 $0x1400  }
0x9f: {  	[spmem:s1] =	stream.indirect.scatter.add.f32 [tilespmem:s20], [sflag:$0x3], $0x80, s10, s23, $0xb8;
	[tilespmem:$0x1E800] =	vst v63  }
0xa0: {  	_ =	swait.ge [sflag:s21], $0x4000  }
0xa1: {  	[sflag:s21] =	ssyncset.done $0x0  }
0xa2: {  	[sflag:s21] =	ssyncadd.s32 $0xFFFFC000  }
0xa3: {  	_ =	swait.ge [sflag:s26], $0x4000  }
0xa4: {  	[sflag:s26] =	ssyncset.done $0x0  }
0xa5: {  	s10 =	simm.s32 $0x100;
	[sflag:s26] =	ssyncadd.s32 $0xFFFFC000  }
0xa6: {  	[tilespmem:s20], [sflag:$0x1] =	stream.indirect.gather [hbm4b:s4+s23], $0x80, s10, s23, $0xb8;
	[tilespmem:$0x1E800] =	vst v63  }
0xa7: {  	s10 =	simm.s32 $0x1480  }
0xa8: {  	[spmem:s1] =	stream.indirect.scatter.add.f32 [tilespmem:s25], [sflag:$0x3], $0x80, s10, s23, $0xb8;
	[tilespmem:$0x1E800] =	vst v63  }
0xa9: {  	_ =	swait.ge [sflag:s21], $0x4000  }
0xaa: {  	s31 =	simm.s32 $0x400;
	[sflag:s21] =	ssyncset.done $0x0  }
.LBB2_12:
0xab: {  	p1 =	sne.s32 s31, $0x4800  }
0xac: {  	[sflag:s21] =	ssyncadd.s32 $0xFFFFC000;
	s0 =	smov.u32 s31;
	s31 =	sadd.s32 $0x400, s31  }
0xad: {  	_ = 	snop  }
0xae: {  	_ =	swait.ge [sflag:s24], $0x4000  }
0xaf: {  	s0 =	sshra.s32 s0, $0x2;
	[sflag:s24] =	ssyncset.done $0x0  }
0xb0: {  	s10 =	sadd.s32 $0x80, s0;
	[sflag:s24] =	ssyncadd.s32 $0xFFFFC000  }
0xb1: {  	[tilespmem:s25], [sflag:$0x2] =	stream.indirect.gather [hbm4b:s4+s23], $0x80, s10, s23, $0xb8;
	[tilespmem:$0x1E800] =	vst v63  }
0xb2: {  	s10 =	sadd.s32 $0x1400, s0  }
0xb3: {  	[spmem:s1] =	stream.indirect.scatter.add.f32 [tilespmem:s20], [sflag:$0x3], $0x80, s10, s23, $0xb8;
	[tilespmem:$0x1E800] =	vst v63  }
0xb4: {  	_ =	swait.ge [sflag:s21], $0x4000  }
0xb5: {  	[sflag:s21] =	ssyncset.done $0x0  }
0xb6: {  	[sflag:s21] =	ssyncadd.s32 $0xFFFFC000  }
0xb7: {  	_ =	swait.ge [sflag:s26], $0x4000  }
0xb8: {  	[sflag:s26] =	ssyncset.done $0x0  }
0xb9: {  	s10 =	sadd.s32 $0x100, s0;
	[sflag:s26] =	ssyncadd.s32 $0xFFFFC000  }
0xba: {  	[tilespmem:s20], [sflag:$0x1] =	stream.indirect.gather [hbm4b:s4+s23], $0x80, s10, s23, $0xb8;
	[tilespmem:$0x1E800] =	vst v63  }
.Ltmp5:
0xbb: {  	_ = 	snop;
	(pc) =	sbr.rel @p1 .LBB2_12-.Ltmp5, $4  }
0xbc: {  	s0 =	sadd.s32 $0x1480, s0  }
0xbd: {  	[spmem:s1] =	stream.indirect.scatter.add.f32 [tilespmem:s25], [sflag:$0x3], $0x80, s0, s23, $0xb8;
	[tilespmem:$0x1E800] =	vst v63  }
0xbe: {  	_ =	swait.ge [sflag:s21], $0x4000  }
0xbf: {  	[sflag:s21] =	ssyncset.done $0x0  }
.Ltmp6:
0xc0: {  	(pc) =	sbr.rel .LBB2_14-.Ltmp6, $2  }
0xc1: {  	_ =	sdelay $0x2  }
0xc2: {  	[sflag:s21] =	ssyncadd.s32 $0xFFFFC000  }
.LBB2_4:
0xc3: {  	s10 =	rddreg [dreg:$0x3]  }
0xc4: {  	[tilespmem:s0], [sflag:$0x3] =	stream.linear.gather [hbm4b:s10+s0], $0x1400, $0x38;
	[tilespmem:$0x1E800] =	vst v63  }
0xc5: {  	_ =	swait.ge [sflag:s21], $0x1400  }
0xc6: {  	[sflag:s21] =	ssyncset.done $0x0  }
0xc7: {  	[sflag:s21] =	ssyncadd.s32 $0xFFFFEC00  }
0xc8: {  	[tilespmem:s22], [sflag:$0x3] =	stream.linear.gather [hbm4b:s11+s0], $0x1400, $0x38;
	[tilespmem:$0x1E800] =	vst v63  }
0xc9: {  	_ =	swait.ge [sflag:s21], $0x1400  }
0xca: {  	[sflag:s21] =	ssyncset.done $0x0  }
0xcb: {  	[sflag:s21] =	ssyncadd.s32 $0xFFFFEC00  }
0xcc: {  	[tilespmem:s20], [sflag:$0x1] =	stream.indirect.gather [hbm4b:s4+s23], $0x80, s0, s23, $0xb8;
	[tilespmem:$0x1E800] =	vst v63  }
0xcd: {  	_ =	swait.ge [sflag:s24], $0x4000  }
0xce: {  	[sflag:s24] =	ssyncset.done $0x0  }
0xcf: {  	s10 =	simm.s32 $0x80;
	[sflag:s24] =	ssyncadd.s32 $0xFFFFC000  }
0xd0: {  	[tilespmem:s25], [sflag:$0x2] =	stream.indirect.gather [hbm4b:s4+s23], $0x80, s10, s23, $0xb8;
	[tilespmem:$0x1E800] =	vst v63  }
0xd1: {  	s10 =	simm.s32 $0x1400  }
0xd2: {  	[spmem:s1] =	stream.indirect.scatter.add.f32 [tilespmem:s20], [sflag:$0x3], $0x80, s10, s23, $0xb8;
	[tilespmem:$0x1E800] =	vst v63  }
0xd3: {  	_ =	swait.ge [sflag:s21], $0x4000  }
0xd4: {  	[sflag:s21] =	ssyncset.done $0x0  }
0xd5: {  	[sflag:s21] =	ssyncadd.s32 $0xFFFFC000  }
0xd6: {  	_ =	swait.ge [sflag:s26], $0x4000  }
0xd7: {  	[sflag:s26] =	ssyncset.done $0x0  }
0xd8: {  	s10 =	simm.s32 $0x100;
	[sflag:s26] =	ssyncadd.s32 $0xFFFFC000  }
0xd9: {  	[tilespmem:s20], [sflag:$0x1] =	stream.indirect.gather [hbm4b:s4+s23], $0x80, s10, s23, $0xb8;
	[tilespmem:$0x1E800] =	vst v63  }
0xda: {  	s10 =	simm.s32 $0x1480  }
0xdb: {  	[spmem:s1] =	stream.indirect.scatter.add.f32 [tilespmem:s25], [sflag:$0x3], $0x80, s10, s23, $0xb8;
	[tilespmem:$0x1E800] =	vst v63  }
0xdc: {  	_ =	swait.ge [sflag:s21], $0x4000  }
0xdd: {  	s31 =	simm.s32 $0x400;
	[sflag:s21] =	ssyncset.done $0x0  }
.LBB2_5:
0xde: {  	p1 =	sne.s32 s31, $0x4800  }
0xdf: {  	[sflag:s21] =	ssyncadd.s32 $0xFFFFC000;
	s0 =	smov.u32 s31;
	s31 =	sadd.s32 $0x400, s31  }
0xe0: {  	_ = 	snop  }
0xe1: {  	_ =	swait.ge [sflag:s24], $0x4000  }
0xe2: {  	s0 =	sshra.s32 s0, $0x2;
	[sflag:s24] =	ssyncset.done $0x0  }
0xe3: {  	s10 =	sadd.s32 $0x80, s0;
	[sflag:s24] =	ssyncadd.s32 $0xFFFFC000  }
0xe4: {  	[tilespmem:s25], [sflag:$0x2] =	stream.indirect.gather [hbm4b:s4+s23], $0x80, s10, s23, $0xb8;
	[tilespmem:$0x1E800] =	vst v63  }
0xe5: {  	s10 =	sadd.s32 $0x1400, s0  }
0xe6: {  	[spmem:s1] =	stream.indirect.scatter.add.f32 [tilespmem:s20], [sflag:$0x3], $0x80, s10, s23, $0xb8;
	[tilespmem:$0x1E800] =	vst v63  }
0xe7: {  	_ =	swait.ge [sflag:s21], $0x4000  }
0xe8: {  	[sflag:s21] =	ssyncset.done $0x0  }
0xe9: {  	[sflag:s21] =	ssyncadd.s32 $0xFFFFC000  }
0xea: {  	_ =	swait.ge [sflag:s26], $0x4000  }
0xeb: {  	[sflag:s26] =	ssyncset.done $0x0  }
0xec: {  	s10 =	sadd.s32 $0x100, s0;
	[sflag:s26] =	ssyncadd.s32 $0xFFFFC000  }
0xed: {  	[tilespmem:s20], [sflag:$0x1] =	stream.indirect.gather [hbm4b:s4+s23], $0x80, s10, s23, $0xb8;
	[tilespmem:$0x1E800] =	vst v63  }
.Ltmp7:
0xee: {  	_ = 	snop;
	(pc) =	sbr.rel @p1 .LBB2_5-.Ltmp7, $4  }
0xef: {  	s0 =	sadd.s32 $0x1480, s0  }
0xf0: {  	[spmem:s1] =	stream.indirect.scatter.add.f32 [tilespmem:s25], [sflag:$0x3], $0x80, s0, s23, $0xb8;
	[tilespmem:$0x1E800] =	vst v63  }
0xf1: {  	_ =	swait.ge [sflag:s21], $0x4000  }
0xf2: {  	[sflag:s21] =	ssyncset.done $0x0  }
0xf3: {  	[sflag:s21] =	ssyncadd.s32 $0xFFFFC000  }
0xf4: {  	_ =	swait.ge [sflag:s24], $0x4000  }
0xf5: {  	[sflag:s24] =	ssyncset.done $0x0  }
0xf6: {  	[sflag:s24] =	ssyncadd.s32 $0xFFFFC000  }
0xf7: {  	[tilespmem:s25], [sflag:$0x2] =	stream.indirect.gather [hbm4b:s4+s23], $0x80, s28, s23, $0xb8;
	[tilespmem:$0x1E800] =	vst v63  }
0xf8: {  	_ = 	snop  }
0xf9: {  	[spmem:s1] =	stream.indirect.scatter.add.f32 [tilespmem:s20], [sflag:$0x3], $0x80, s29, s23, $0xb8;
	[tilespmem:$0x1E800] =	vst v63  }
0xfa: {  	_ =	swait.ge [sflag:s21], $0x4000  }
0xfb: {  	[sflag:s21] =	ssyncset.done $0x0  }
0xfc: {  	[sflag:s21] =	ssyncadd.s32 $0xFFFFC000  }
0xfd: {  	_ =	swait.ge [sflag:s26], $0x4000  }
0xfe: {  	[sflag:s26] =	ssyncset.done $0x0  }
0xff: {  	[sflag:s26] =	ssyncadd.s32 $0xFFFFC000  }
0x100: {  	[spmem:s1] =	stream.indirect.scatter.add.f32 [tilespmem:s25], [sflag:$0x3], $0x80, s30, s23, $0xb8;
	[tilespmem:$0x1E800] =	vst v63  }
0x101: {  	_ =	swait.ge [sflag:s21], $0x4000  }
0x102: {  	[sflag:s21] =	ssyncset.done $0x0  }
0x103: {  	s0 =	simm.s32 $0x0;
	[sflag:s21] =	ssyncadd.s32 $0xFFFFC000  }
0x104: {  	[tilespmem:s0], [sflag:$0x3] =	stream.linear.gather [hbm4b:s12+s0], $0x1400, $0x38;
	[tilespmem:$0x1E800] =	vst v63  }
0x105: {  	_ =	swait.ge [sflag:s21], $0x1400  }
0x106: {  	[sflag:s21] =	ssyncset.done $0x0  }
0x107: {  	[sflag:s21] =	ssyncadd.s32 $0xFFFFEC00  }
0x108: {  	[tilespmem:s22], [sflag:$0x3] =	stream.linear.gather [hbm4b:s13+s0], $0x1400, $0x38;
	[tilespmem:$0x1E800] =	vst v63  }
0x109: {  	_ =	swait.ge [sflag:s21], $0x1400  }
0x10a: {  	[sflag:s21] =	ssyncset.done $0x0  }
0x10b: {  	[sflag:s21] =	ssyncadd.s32 $0xFFFFEC00  }
0x10c: {  	[tilespmem:s20], [sflag:$0x1] =	stream.indirect.gather [hbm4b:s4+s23], $0x80, s0, s23, $0xb8;
	[tilespmem:$0x1E800] =	vst v63  }
0x10d: {  	_ =	swait.ge [sflag:s24], $0x4000  }
0x10e: {  	[sflag:s24] =	ssyncset.done $0x0  }
0x10f: {  	s10 =	simm.s32 $0x80;
	[sflag:s24] =	ssyncadd.s32 $0xFFFFC000  }
0x110: {  	[tilespmem:s25], [sflag:$0x2] =	stream.indirect.gather [hbm4b:s4+s23], $0x80, s10, s23, $0xb8;
	[tilespmem:$0x1E800] =	vst v63  }
0x111: {  	s10 =	simm.s32 $0x1400  }
0x112: {  	[spmem:s1] =	stream.indirect.scatter.add.f32 [tilespmem:s20], [sflag:$0x3], $0x80, s10, s23, $0xb8;
	[tilespmem:$0x1E800] =	vst v63  }
0x113: {  	_ =	swait.ge [sflag:s21], $0x4000  }
0x114: {  	[sflag:s21] =	ssyncset.done $0x0  }
0x115: {  	[sflag:s21] =	ssyncadd.s32 $0xFFFFC000  }
0x116: {  	_ =	swait.ge [sflag:s26], $0x4000  }
0x117: {  	[sflag:s26] =	ssyncset.done $0x0  }
0x118: {  	s10 =	simm.s32 $0x100;
	[sflag:s26] =	ssyncadd.s32 $0xFFFFC000  }
0x119: {  	[tilespmem:s20], [sflag:$0x1] =	stream.indirect.gather [hbm4b:s4+s23], $0x80, s10, s23, $0xb8;
	[tilespmem:$0x1E800] =	vst v63  }
0x11a: {  	s10 =	simm.s32 $0x1480  }
0x11b: {  	[spmem:s1] =	stream.indirect.scatter.add.f32 [tilespmem:s25], [sflag:$0x3], $0x80, s10, s23, $0xb8;
	[tilespmem:$0x1E800] =	vst v63  }
0x11c: {  	_ =	swait.ge [sflag:s21], $0x4000  }
0x11d: {  	s31 =	simm.s32 $0x400;
	[sflag:s21] =	ssyncset.done $0x0  }
.LBB2_7:
0x11e: {  	p1 =	seq.s32 s31, $0x4800  }
0x11f: {  	[sflag:s21] =	ssyncadd.s32 $0xFFFFC000;
	s0 =	smov.u32 s31;
	s31 =	sadd.s32 $0x400, s31  }
0x120: {  	_ = 	snop  }
0x121: {  	_ =	swait.ge [sflag:s24], $0x4000  }
0x122: {  	s0 =	sshra.s32 s0, $0x2;
	[sflag:s24] =	ssyncset.done $0x0  }
0x123: {  	s10 =	sadd.s32 $0x80, s0;
	[sflag:s24] =	ssyncadd.s32 $0xFFFFC000  }
0x124: {  	[tilespmem:s25], [sflag:$0x2] =	stream.indirect.gather [hbm4b:s4+s23], $0x80, s10, s23, $0xb8;
	[tilespmem:$0x1E800] =	vst v63  }
0x125: {  	s10 =	sadd.s32 $0x1400, s0  }
0x126: {  	[spmem:s1] =	stream.indirect.scatter.add.f32 [tilespmem:s20], [sflag:$0x3], $0x80, s10, s23, $0xb8;
	[tilespmem:$0x1E800] =	vst v63  }
0x127: {  	_ =	swait.ge [sflag:s21], $0x4000  }
0x128: {  	[sflag:s21] =	ssyncset.done $0x0  }
0x129: {  	[sflag:s21] =	ssyncadd.s32 $0xFFFFC000  }
0x12a: {  	_ =	swait.ge [sflag:s26], $0x4000  }
0x12b: {  	[sflag:s26] =	ssyncset.done $0x0  }
0x12c: {  	s10 =	sadd.s32 $0x100, s0;
	[sflag:s26] =	ssyncadd.s32 $0xFFFFC000  }
0x12d: {  	[tilespmem:s20], [sflag:$0x1] =	stream.indirect.gather [hbm4b:s4+s23], $0x80, s10, s23, $0xb8;
	[tilespmem:$0x1E800] =	vst v63  }
.Ltmp8:
0x12e: {  	_ = 	snop;
	(pc) =	sbr.rel @!p1 .LBB2_7-.Ltmp8, $4  }
0x12f: {  	s0 =	sadd.s32 $0x1480, s0  }
0x130: {  	[spmem:s1] =	stream.indirect.scatter.add.f32 [tilespmem:s25], [sflag:$0x3], $0x80, s0, s23, $0xb8;
	[tilespmem:$0x1E800] =	vst v63  }
0x131: {  	_ =	swait.ge [sflag:s21], $0x4000  }
0x132: {  	[sflag:s21] =	ssyncset.done $0x0  }
.Ltmp9:
0x133: {  	_ = 	snop;
	(pc) =	sbr.rel .LBB2_8-.Ltmp9, $1  }
0x134: {  	_ =	sdelay $0x3  }
.LBB2_15:
0x135: {  	_ =	sfence.sel $0x180000  }
0x136: {  	[bflag:$0x0] =	sbarrier.arrive $0xFFFF  }
0x137: {  	_ =	strace $0x9000004A  }
0x138: {  	[bflag:$0x2] =	sbarrier.arrive $0xFFFF  }
0x139: {  	p0 =	sne.s32 s2, $0x0;
	s0 =	rddreg [dreg:$0x2]  }
0x13a: {  	s0 =	sadd.s32 @!p0 $0x100000, s0  }
0x13b: {  	[sflag:s0] =	ssyncadd.tile.s32 @!p0 $0x1;
	_ =	shalt  }
.Lfunc_end2:
_tile_overlayer_lowered:
.L_overlay_start_2:
0x13c: {  	(tag) =	ssettag $0x2  }
0x13d: {  	s0 =	rddreg [dreg:$0x0];
	s2 =	stileid.u32  }
0x13e: {  	s1 =	rddreg [dreg:$0x1];
	p0 =	sne.s32 s2, $0x0  }
0x13f: {  	s3 =	rddreg [dreg:$0x2];
	[bflag:$0x3] =	sbarrier.arrive $0xFFFF;
	s2 =	simm.s32 @!p0 $0x1C03  }
0x140: {  	[timem:s3], [sflag:s2] =	dma.local @!p0 [hbm:s0], s1  }
0x141: {  	s0 =	simm.s32 @!p0 $0x3  }
0x142: {  	_ =	swait.ge @!p0 [sflag:s0], s1  }
0x143: {  	s1 =	ssub.s32 @!p0 $0x0, s1;
	[sflag:s0] =	ssyncset.done @!p0 $0x0  }
0x144: {  	[sflag:s0] =	ssyncadd.s32 @!p0 s1  }
0x145: {  	[bflag:$0x3] =	sbarrier.arrive $0xFFFF  }
0x146: {  	_ =	shalt  }

</sc_bundles>
